<compile_context>
chip_gen: v7x
topology: tpu7x:2x2x1
jax: 0.10.2.dev20260603
libtpu: 0.0.44.dev20260713+nightly
codegen_flags: <defaults>
</compile_context>

<pallas_src>
import functools

import jax
import jax.numpy as jnp
from jax import lax
from jax.experimental import pallas as pl
from jax.experimental.pallas import tpu as pltpu
from jax.experimental.pallas import tpu_sc as plsc

BATCH = 16384
NUM_BINS = 11
OUTPUT_DIM = 128
ZERO_ROW = NUM_BINS

NC = 2
NS = 16
NW = NC * NS
LANES = 16
B_PER_W = BATCH // NW
CHUNK = 64
N_CHUNKS = B_PER_W // CHUNK


def _tile_body(idx_hbm, tab_hbm, out_hbm, idx_v, rows_v, zrow_v, tab_sh, *sems):
    gsems, osem = sems[:N_CHUNKS], sems[N_CHUNKS]
    wid = lax.axis_index("s") * NC + lax.axis_index("c")
    @pl.when(lax.axis_index("s") == 0)
    def _():
        for i in range(OUTPUT_DIM // LANES):
            zrow_v[0, 0, pl.ds(i * LANES, LANES)] = jnp.zeros((LANES,), jnp.float32)
        pltpu.sync_copy(tab_hbm, tab_sh.at[pl.ds(0, NUM_BINS)])
        pltpu.sync_copy(zrow_v, tab_sh.at[pl.ds(ZERO_ROW, 1)])
    pltpu.sync_copy(idx_hbm.at[wid], idx_v)
    for j in range(N_CHUNKS):
        for i in range(CHUNK // LANES):
            v = idx_v[j, pl.ds(i * LANES, LANES)]
            v = jnp.clip(v, 0, NUM_BINS - 1)
            v = jnp.where(v == 0, ZERO_ROW, v)
            idx_v[j, pl.ds(i * LANES, LANES)] = v
    plsc.subcore_barrier()
    gathers = [
        pltpu.async_copy(
            tab_sh.at[idx_v.at[j]],
            rows_v.at[pl.ds(j * CHUNK, CHUNK)],
            gsems[j],
        )
        for j in range(N_CHUNKS)
    ]
    outs = []
    for j in range(N_CHUNKS):
        gathers[j].wait()
        outs.append(pltpu.async_copy(
            rows_v.at[pl.ds(j * CHUNK, CHUNK)],
            out_hbm.at[pl.ds(wid * B_PER_W + j * CHUNK, CHUNK)],
            osem,
        ))
    for cp in outs:
        cp.wait()


@jax.jit
def _sc_gather(idx, tab):
    mesh = plsc.VectorSubcoreMesh(
        core_axis_name="c", subcore_axis_name="s",
        num_cores=NC, num_subcores=NS,
    )
    f = functools.partial(
        pl.kernel,
        out_type=jax.ShapeDtypeStruct((BATCH, 1, OUTPUT_DIM), jnp.float32),
        mesh=mesh,
        scratch_types=[
            pltpu.VMEM((N_CHUNKS, CHUNK), jnp.int32),
            pltpu.VMEM((B_PER_W, 1, OUTPUT_DIM), jnp.float32),
            pltpu.VMEM((1, 1, OUTPUT_DIM), jnp.float32),
            pltpu.VMEM_SHARED((NUM_BINS + 1, 1, OUTPUT_DIM), jnp.float32),
        ] + [pltpu.SemaphoreType.DMA] * (N_CHUNKS + 1),
    )(_tile_body)
    return f(idx, tab)


def kernel(indices, table):
    idx = indices.astype(jnp.int32).reshape(NW, N_CHUNKS, CHUNK)
    emb = _sc_gather(idx, table[:, None, :])
    mask = jnp.ones((BATCH, 1), dtype=jnp.float32)
    return emb, mask

# --- scband reference (transcript-rebuilt; emitter-appended) ---
"""Pipeline reference for scband-score-bin-conditioner-55903294324951 (READ-ONLY COPY).

The authoritative reference and input builder live on the scoring server;
editing this copy changes nothing except your own understanding.
"""

import jax, jax.numpy as jnp
import numpy as np

BATCH = 16384
NUM_BINS = 11
OUTPUT_DIM = 128

def setup_inputs(seed: int = 0) -> dict:
    key = jax.random.key(seed)
    k1, k2 = jax.random.split(key)
    indices = jax.random.randint(k1, (BATCH,), 0, NUM_BINS).astype(jnp.int64)
    # learned embedding table (torch inits to zeros; use small random values so output is nontrivial)
    table = jax.random.normal(k2, (NUM_BINS, OUTPUT_DIM), dtype=jnp.float32) * 0.02
    return {"indices": indices, "table": table}

def reference(indices, table):
    # clamp bins to valid range [0, num_bins-1]
    x = jnp.clip(indices, 0, NUM_BINS - 1)
    # unsqueeze to [B, 1] as in the torch forward
    x = x[:, None]
    # embedding lookup (gather)
    emb = jnp.take(table, x, axis=0)  # [B, 1, D]
    # zero out the unconditional class (bin 0)
    emb = jnp.where((x == 0)[..., None], jnp.zeros_like(emb), emb)
    mask = jnp.ones((emb.shape[0], 1), dtype=jnp.float32)
    return emb, mask

if __name__ == "__main__":
    import jax
    _d = setup_inputs()
    print(jax.jit(kernel)(*tuple(_d.values())))

</pallas_src>

<mosaic_0001>
#map = affine_map<(d0, d1) -> (0, 0, 0)>
module attributes {stable_mosaic.version = 14 : i64} {
  func.func @_tile_body(%arg0: i32, %arg1: i32, %arg2: memref<32x8x64xi32, #tpu.memory_space<hbm>>, %arg3: memref<11x1x128xf32, #tpu.memory_space<hbm>>, %arg4: memref<16384x1x128xf32, #tpu.memory_space<hbm>>, %arg5: memref<8x64xi32, #tpu.memory_space<vmem>>, %arg6: memref<512x1x128xf32, #tpu.memory_space<vmem>>, %arg7: memref<1x1x128xf32, #tpu.memory_space<vmem>>, %arg8: memref<12x1x128xf32, #tpu.memory_space<vmem_shared>>, %arg9: memref<!tpu.dma_semaphore, #tpu.memory_space<semaphore_mem>>, %arg10: memref<!tpu.dma_semaphore, #tpu.memory_space<semaphore_mem>>, %arg11: memref<!tpu.dma_semaphore, #tpu.memory_space<semaphore_mem>>, %arg12: memref<!tpu.dma_semaphore, #tpu.memory_space<semaphore_mem>>, %arg13: memref<!tpu.dma_semaphore, #tpu.memory_space<semaphore_mem>>, %arg14: memref<!tpu.dma_semaphore, #tpu.memory_space<semaphore_mem>>, %arg15: memref<!tpu.dma_semaphore, #tpu.memory_space<semaphore_mem>>, %arg16: memref<!tpu.dma_semaphore, #tpu.memory_space<semaphore_mem>>, %arg17: memref<!tpu.dma_semaphore, #tpu.memory_space<semaphore_mem>>) attributes {dimension_semantics = [#tpu.dimension_semantics<core_parallel>, #tpu.dimension_semantics<subcore_parallel>], iteration_bounds = array<i64: 2, 16>, scalar_prefetch = 0 : i64, scratch_operands = 13 : i64, tpu.core_type = #tpu.core_type<sc_vector_subcore>, window_params = [{transform_indices = #map}, {transform_indices = #map}, {transform_indices = #map}]} {
    %mul3A = arith.constant 2 : i32
    %mul3A_0 = arith.muli %arg1, %mul3A : i32
    %add3A = arith.addi %mul3A_0, %arg0 : i32
    %eq3A = arith.constant 0 : i32
    %eq3A_1 = arith.cmpi eq, %arg1, %eq3A : i32
    %convert_element_type3A = arith.extui %eq3A_1 : i1 to i32
    %cond3A = arith.constant 0 : i32
    %cond3A_2 = arith.cmpi ne, %convert_element_type3A, %cond3A : i32
    scf.if %cond3A_2 {
      %broadcast_in_dim3A_1178 = arith.constant 0.000000e+00 : f32
      %broadcast_in_dim3A_1179 = vector.broadcast %broadcast_in_dim3A_1178 : f32 to vector<16xf32>
      %swap3A_1180 = arith.constant 0 : i32
      %swap3A_1181 = arith.constant 0 : i32
      %swap3A_1182 = arith.index_cast %swap3A_1180 : i32 to index
      %swap3A_1183 = arith.index_cast %swap3A_1181 : i32 to index
      %swap3A_1184 = arith.constant 0 : index
      %swap3A_1185 = tpu.vector_load %arg7[%swap3A_1182, %swap3A_1183, %swap3A_1184] {strides = array<i32>} : memref<1x1x128xf32, #tpu.memory_space<vmem>>, vector<1x1x16xf32>,
      %swap3A_1186 = vector.shape_cast %swap3A_1185 : vector<1x1x16xf32> to vector<16xf32>
      %swap3A_1187 = vector.shape_cast %broadcast_in_dim3A_1179 : vector<16xf32> to vector<1x1x16xf32>
      tpu.vector_store %arg7[%swap3A_1182, %swap3A_1183, %swap3A_1184], %swap3A_1187 {strides = array<i32>} : memref<1x1x128xf32, #tpu.memory_space<vmem>>, vector<1x1x16xf32>,
      %broadcast_in_dim3A_1188 = arith.constant 0.000000e+00 : f32
      %broadcast_in_dim3A_1189 = vector.broadcast %broadcast_in_dim3A_1188 : f32 to vector<16xf32>
      %swap3A_1190 = arith.constant 0 : i32
      %swap3A_1191 = arith.constant 0 : i32
      %swap3A_1192 = arith.index_cast %swap3A_1190 : i32 to index
      %swap3A_1193 = arith.index_cast %swap3A_1191 : i32 to index
      %swap3A_1194 = arith.constant 16 : index
      %swap3A_1195 = tpu.vector_load %arg7[%swap3A_1192, %swap3A_1193, %swap3A_1194] {strides = array<i32>} : memref<1x1x128xf32, #tpu.memory_space<vmem>>, vector<1x1x16xf32>,
      %swap3A_1196 = vector.shape_cast %swap3A_1195 : vector<1x1x16xf32> to vector<16xf32>
      %swap3A_1197 = vector.shape_cast %broadcast_in_dim3A_1189 : vector<16xf32> to vector<1x1x16xf32>
      tpu.vector_store %arg7[%swap3A_1192, %swap3A_1193, %swap3A_1194], %swap3A_1197 {strides = array<i32>} : memref<1x1x128xf32, #tpu.memory_space<vmem>>, vector<1x1x16xf32>,
      %broadcast_in_dim3A_1198 = arith.constant 0.000000e+00 : f32
      %broadcast_in_dim3A_1199 = vector.broadcast %broadcast_in_dim3A_1198 : f32 to vector<16xf32>
      %swap3A_1200 = arith.constant 0 : i32
      %swap3A_1201 = arith.constant 0 : i32
      %swap3A_1202 = arith.index_cast %swap3A_1200 : i32 to index
      %swap3A_1203 = arith.index_cast %swap3A_1201 : i32 to index
      %swap3A_1204 = arith.constant 32 : index
      %swap3A_1205 = tpu.vector_load %arg7[%swap3A_1202, %swap3A_1203, %swap3A_1204] {strides = array<i32>} : memref<1x1x128xf32, #tpu.memory_space<vmem>>, vector<1x1x16xf32>,
      %swap3A_1206 = vector.shape_cast %swap3A_1205 : vector<1x1x16xf32> to vector<16xf32>
      %swap3A_1207 = vector.shape_cast %broadcast_in_dim3A_1199 : vector<16xf32> to vector<1x1x16xf32>
      tpu.vector_store %arg7[%swap3A_1202, %swap3A_1203, %swap3A_1204], %swap3A_1207 {strides = array<i32>} : memref<1x1x128xf32, #tpu.memory_space<vmem>>, vector<1x1x16xf32>,
      %broadcast_in_dim3A_1208 = arith.constant 0.000000e+00 : f32
      %broadcast_in_dim3A_1209 = vector.broadcast %broadcast_in_dim3A_1208 : f32 to vector<16xf32>
      %swap3A_1210 = arith.constant 0 : i32
      %swap3A_1211 = arith.constant 0 : i32
      %swap3A_1212 = arith.index_cast %swap3A_1210 : i32 to index
      %swap3A_1213 = arith.index_cast %swap3A_1211 : i32 to index
      %swap3A_1214 = arith.constant 48 : index
      %swap3A_1215 = tpu.vector_load %arg7[%swap3A_1212, %swap3A_1213, %swap3A_1214] {strides = array<i32>} : memref<1x1x128xf32, #tpu.memory_space<vmem>>, vector<1x1x16xf32>,
      %swap3A_1216 = vector.shape_cast %swap3A_1215 : vector<1x1x16xf32> to vector<16xf32>
      %swap3A_1217 = vector.shape_cast %broadcast_in_dim3A_1209 : vector<16xf32> to vector<1x1x16xf32>
      tpu.vector_store %arg7[%swap3A_1212, %swap3A_1213, %swap3A_1214], %swap3A_1217 {strides = array<i32>} : memref<1x1x128xf32, #tpu.memory_space<vmem>>, vector<1x1x16xf32>,
      %broadcast_in_dim3A_1218 = arith.constant 0.000000e+00 : f32
      %broadcast_in_dim3A_1219 = vector.broadcast %broadcast_in_dim3A_1218 : f32 to vector<16xf32>
      %swap3A_1220 = arith.constant 0 : i32
      %swap3A_1221 = arith.constant 0 : i32
      %swap3A_1222 = arith.index_cast %swap3A_1220 : i32 to index
      %swap3A_1223 = arith.index_cast %swap3A_1221 : i32 to index
      %swap3A_1224 = arith.constant 64 : index
      %swap3A_1225 = tpu.vector_load %arg7[%swap3A_1222, %swap3A_1223, %swap3A_1224] {strides = array<i32>} : memref<1x1x128xf32, #tpu.memory_space<vmem>>, vector<1x1x16xf32>,
      %swap3A_1226 = vector.shape_cast %swap3A_1225 : vector<1x1x16xf32> to vector<16xf32>
      %swap3A_1227 = vector.shape_cast %broadcast_in_dim3A_1219 : vector<16xf32> to vector<1x1x16xf32>
      tpu.vector_store %arg7[%swap3A_1222, %swap3A_1223, %swap3A_1224], %swap3A_1227 {strides = array<i32>} : memref<1x1x128xf32, #tpu.memory_space<vmem>>, vector<1x1x16xf32>,
      %broadcast_in_dim3A_1228 = arith.constant 0.000000e+00 : f32
      %broadcast_in_dim3A_1229 = vector.broadcast %broadcast_in_dim3A_1228 : f32 to vector<16xf32>
      %swap3A_1230 = arith.constant 0 : i32
      %swap3A_1231 = arith.constant 0 : i32
      %swap3A_1232 = arith.index_cast %swap3A_1230 : i32 to index
      %swap3A_1233 = arith.index_cast %swap3A_1231 : i32 to index
      %swap3A_1234 = arith.constant 80 : index
      %swap3A_1235 = tpu.vector_load %arg7[%swap3A_1232, %swap3A_1233, %swap3A_1234] {strides = array<i32>} : memref<1x1x128xf32, #tpu.memory_space<vmem>>, vector<1x1x16xf32>,
      %swap3A_1236 = vector.shape_cast %swap3A_1235 : vector<1x1x16xf32> to vector<16xf32>
      %swap3A_1237 = vector.shape_cast %broadcast_in_dim3A_1229 : vector<16xf32> to vector<1x1x16xf32>
      tpu.vector_store %arg7[%swap3A_1232, %swap3A_1233, %swap3A_1234], %swap3A_1237 {strides = array<i32>} : memref<1x1x128xf32, #tpu.memory_space<vmem>>, vector<1x1x16xf32>,
      %broadcast_in_dim3A_1238 = arith.constant 0.000000e+00 : f32
      %broadcast_in_dim3A_1239 = vector.broadcast %broadcast_in_dim3A_1238 : f32 to vector<16xf32>
      %swap3A_1240 = arith.constant 0 : i32
      %swap3A_1241 = arith.constant 0 : i32
      %swap3A_1242 = arith.index_cast %swap3A_1240 : i32 to index
      %swap3A_1243 = arith.index_cast %swap3A_1241 : i32 to index
      %swap3A_1244 = arith.constant 96 : index
      %swap3A_1245 = tpu.vector_load %arg7[%swap3A_1242, %swap3A_1243, %swap3A_1244] {strides = array<i32>} : memref<1x1x128xf32, #tpu.memory_space<vmem>>, vector<1x1x16xf32>,
      %swap3A_1246 = vector.shape_cast %swap3A_1245 : vector<1x1x16xf32> to vector<16xf32>
      %swap3A_1247 = vector.shape_cast %broadcast_in_dim3A_1239 : vector<16xf32> to vector<1x1x16xf32>
      tpu.vector_store %arg7[%swap3A_1242, %swap3A_1243, %swap3A_1244], %swap3A_1247 {strides = array<i32>} : memref<1x1x128xf32, #tpu.memory_space<vmem>>, vector<1x1x16xf32>,
      %broadcast_in_dim3A_1248 = arith.constant 0.000000e+00 : f32
      %broadcast_in_dim3A_1249 = vector.broadcast %broadcast_in_dim3A_1248 : f32 to vector<16xf32>
      %swap3A_1250 = arith.constant 0 : i32
      %swap3A_1251 = arith.constant 0 : i32
      %swap3A_1252 = arith.index_cast %swap3A_1250 : i32 to index
      %swap3A_1253 = arith.index_cast %swap3A_1251 : i32 to index
      %swap3A_1254 = arith.constant 112 : index
      %swap3A_1255 = tpu.vector_load %arg7[%swap3A_1252, %swap3A_1253, %swap3A_1254] {strides = array<i32>} : memref<1x1x128xf32, #tpu.memory_space<vmem>>, vector<1x1x16xf32>,
      %swap3A_1256 = vector.shape_cast %swap3A_1255 : vector<1x1x16xf32> to vector<16xf32>
      %swap3A_1257 = vector.shape_cast %broadcast_in_dim3A_1249 : vector<16xf32> to vector<1x1x16xf32>
      tpu.vector_store %arg7[%swap3A_1252, %swap3A_1253, %swap3A_1254], %swap3A_1257 {strides = array<i32>} : memref<1x1x128xf32, #tpu.memory_space<vmem>>, vector<1x1x16xf32>,
      "tpu.region"() ({
        %run_scoped3A = tpu.sem_alloc : memref<!tpu.dma_semaphore, #tpu.memory_space<semaphore_mem>>
        %dma_start3A_1258 = arith.constant 0 : i32
        %dma_start3A_1259 = arith.constant 0 : i32
        %dma_start3A_1260 = arith.constant 0 : i32
        %dma_start3A_1261 = tpu.memref_slice %arg8[%dma_start3A_1258, %dma_start3A_1259, %dma_start3A_1260] : memref<12x1x128xf32, #tpu.memory_space<vmem_shared>> -> memref<11x1x128xf32, #tpu.memory_space<vmem_shared>>
        tpu.enqueue_dma source(%arg3 : memref<11x1x128xf32, #tpu.memory_space<hbm>>) target(%dma_start3A_1261 : memref<11x1x128xf32, #tpu.memory_space<vmem_shared>>) target_semaphore(%run_scoped3A : memref<!tpu.dma_semaphore, #tpu.memory_space<semaphore_mem>>)
        %dma_wait3A_1262 = arith.constant 0 : i32
        %dma_wait3A_1263 = arith.constant 0 : i32
        %dma_wait3A_1264 = arith.constant 0 : i32
        %dma_wait3A_1265 = tpu.memref_slice %arg8[%dma_wait3A_1262, %dma_wait3A_1263, %dma_wait3A_1264] : memref<12x1x128xf32, #tpu.memory_space<vmem_shared>> -> memref<11x1x128xf32, #tpu.memory_space<vmem_shared>>
        tpu.wait_dma2 semaphore(%run_scoped3A : memref<!tpu.dma_semaphore, #tpu.memory_space<semaphore_mem>>) src(%arg3 : memref<11x1x128xf32, #tpu.memory_space<hbm>>) dst(%dma_wait3A_1265 : memref<11x1x128xf32, #tpu.memory_space<vmem_shared>>)
        tpu.yield
      }) : () -> ()
      "tpu.region"() ({
        %run_scoped3A = tpu.sem_alloc : memref<!tpu.dma_semaphore, #tpu.memory_space<semaphore_mem>>
        %dma_start3A_1258 = arith.constant 11 : i32
        %dma_start3A_1259 = arith.constant 0 : i32
        %dma_start3A_1260 = arith.constant 0 : i32
        %dma_start3A_1261 = tpu.memref_slice %arg8[%dma_start3A_1258, %dma_start3A_1259, %dma_start3A_1260] : memref<12x1x128xf32, #tpu.memory_space<vmem_shared>> -> memref<1x1x128xf32, #tpu.memory_space<vmem_shared>>
        %dma_start3A_1262 = arith.constant 11 : i32
        %dma_start3A_1263 = arith.constant 0 : i32
        %dma_start3A_1264 = arith.constant 0 : i32
        %dma_start3A_1265 = tpu.memref_slice %arg8[%dma_start3A_1262, %dma_start3A_1263, %dma_start3A_1264] : memref<12x1x128xf32, #tpu.memory_space<vmem_shared>> -> memref<1x1x128xf32, #tpu.memory_space<vmem_shared>>
        tpu.enqueue_dma source(%arg7 : memref<1x1x128xf32, #tpu.memory_space<vmem>>) target(%dma_start3A_1265 : memref<1x1x128xf32, #tpu.memory_space<vmem_shared>>) target_semaphore(%run_scoped3A : memref<!tpu.dma_semaphore, #tpu.memory_space<semaphore_mem>>)
        %dma_wait3A_1266 = arith.constant 11 : i32
        %dma_wait3A_1267 = arith.constant 0 : i32
        %dma_wait3A_1268 = arith.constant 0 : i32
        %dma_wait3A_1269 = tpu.memref_slice %arg8[%dma_wait3A_1266, %dma_wait3A_1267, %dma_wait3A_1268] : memref<12x1x128xf32, #tpu.memory_space<vmem_shared>> -> memref<1x1x128xf32, #tpu.memory_space<vmem_shared>>
        %dma_wait3A_1270 = arith.constant 11 : i32
        %dma_wait3A_1271 = arith.constant 0 : i32
        %dma_wait3A_1272 = arith.constant 0 : i32
        %dma_wait3A_1273 = tpu.memref_slice %arg8[%dma_wait3A_1270, %dma_wait3A_1271, %dma_wait3A_1272] : memref<12x1x128xf32, #tpu.memory_space<vmem_shared>> -> memref<1x1x128xf32, #tpu.memory_space<vmem_shared>>
        tpu.wait_dma2 semaphore(%run_scoped3A : memref<!tpu.dma_semaphore, #tpu.memory_space<semaphore_mem>>) src(%arg7 : memref<1x1x128xf32, #tpu.memory_space<vmem>>) dst(%dma_wait3A_1273 : memref<1x1x128xf32, #tpu.memory_space<vmem_shared>>)
        tpu.yield
      }) : () -> ()
    } else {
    }
    "tpu.region"() ({
      %run_scoped3A = tpu.sem_alloc : memref<!tpu.dma_semaphore, #tpu.memory_space<semaphore_mem>>
      %dma_start3A_1178 = arith.constant 0 : i32
      %dma_start3A_1179 = arith.constant 0 : i32
      %dma_start3A_1180 = tpu.memref_slice %arg2[%add3A, %dma_start3A_1178, %dma_start3A_1179] : memref<32x8x64xi32, #tpu.memory_space<hbm>> -> memref<1x8x64xi32, #tpu.memory_space<hbm>>
      %dma_start3A_1181 = tpu.memref_squeeze %dma_start3A_1180 : memref<1x8x64xi32, #tpu.memory_space<hbm>> -> memref<8x64xi32, #tpu.memory_space<hbm>>
      %dma_start3A_1182 = arith.constant 0 : i32
      %dma_start3A_1183 = arith.constant 0 : i32
      %dma_start3A_1184 = tpu.memref_slice %arg2[%add3A, %dma_start3A_1182, %dma_start3A_1183] : memref<32x8x64xi32, #tpu.memory_space<hbm>> -> memref<1x8x64xi32, #tpu.memory_space<hbm>>
      %dma_start3A_1185 = tpu.memref_squeeze %dma_start3A_1184 : memref<1x8x64xi32, #tpu.memory_space<hbm>> -> memref<8x64xi32, #tpu.memory_space<hbm>>
      tpu.enqueue_dma source(%dma_start3A_1185 : memref<8x64xi32, #tpu.memory_space<hbm>>) target(%arg5 : memref<8x64xi32, #tpu.memory_space<vmem>>) target_semaphore(%run_scoped3A : memref<!tpu.dma_semaphore, #tpu.memory_space<semaphore_mem>>)
      %dma_wait3A_1186 = arith.constant 0 : i32
      %dma_wait3A_1187 = arith.constant 0 : i32
      %dma_wait3A_1188 = tpu.memref_slice %arg2[%add3A, %dma_wait3A_1186, %dma_wait3A_1187] : memref<32x8x64xi32, #tpu.memory_space<hbm>> -> memref<1x8x64xi32, #tpu.memory_space<hbm>>
      %dma_wait3A_1189 = tpu.memref_squeeze %dma_wait3A_1188 : memref<1x8x64xi32, #tpu.memory_space<hbm>> -> memref<8x64xi32, #tpu.memory_space<hbm>>
      %dma_wait3A_1190 = arith.constant 0 : i32
      %dma_wait3A_1191 = arith.constant 0 : i32
      %dma_wait3A_1192 = tpu.memref_slice %arg2[%add3A, %dma_wait3A_1190, %dma_wait3A_1191] : memref<32x8x64xi32, #tpu.memory_space<hbm>> -> memref<1x8x64xi32, #tpu.memory_space<hbm>>
      %dma_wait3A_1193 = tpu.memref_squeeze %dma_wait3A_1192 : memref<1x8x64xi32, #tpu.memory_space<hbm>> -> memref<8x64xi32, #tpu.memory_space<hbm>>
      tpu.wait_dma2 semaphore(%run_scoped3A : memref<!tpu.dma_semaphore, #tpu.memory_space<semaphore_mem>>) src(%dma_wait3A_1193 : memref<8x64xi32, #tpu.memory_space<hbm>>) dst(%arg5 : memref<8x64xi32, #tpu.memory_space<vmem>>)
      tpu.yield
    }) : () -> ()
    %get3A = arith.constant 0 : i32
    %get3A_3 = arith.index_cast %get3A : i32 to index
    %get3A_4 = arith.constant 0 : index
    %get3A_5 = tpu.vector_load %arg5[%get3A_3, %get3A_4] {strides = array<i32>} : memref<8x64xi32, #tpu.memory_space<vmem>>, vector<1x16xi32>,
    %get3A_6 = vector.shape_cast %get3A_5 : vector<1x16xi32> to vector<16xi32>
    %jit3A = arith.constant 0 : i32
    %jit3A_7 = arith.constant 10 : i32
    %max3A = vector.broadcast %jit3A : i32 to vector<16xi32>
    %max3A_8 = arith.maxsi %max3A, %get3A_6 : vector<16xi32>
    %min3A = vector.broadcast %jit3A_7 : i32 to vector<16xi32>
    %min3A_9 = arith.minsi %min3A, %max3A_8 : vector<16xi32>
    %eq3A_10 = arith.constant 0 : i32
    %eq3A_11 = vector.broadcast %eq3A_10 : i32 to vector<16xi32>
    %eq3A_12 = arith.cmpi eq, %min3A_9, %eq3A_11 : vector<16xi32>
    %jit3A_13 = arith.constant 11 : i32
    %broadcast_in_dim3A = vector.broadcast %jit3A_13 : i32 to vector<16xi32>
    %select_n3A = arith.select %eq3A_12, %broadcast_in_dim3A, %min3A_9 : vector<16xi1>, vector<16xi32>
    %swap3A = arith.constant 0 : i32
    %swap3A_14 = arith.index_cast %swap3A : i32 to index
    %swap3A_15 = arith.constant 0 : index
    %swap3A_16 = tpu.vector_load %arg5[%swap3A_14, %swap3A_15] {strides = array<i32>} : memref<8x64xi32, #tpu.memory_space<vmem>>, vector<1x16xi32>,
    %swap3A_17 = vector.shape_cast %swap3A_16 : vector<1x16xi32> to vector<16xi32>
    %swap3A_18 = vector.shape_cast %select_n3A : vector<16xi32> to vector<1x16xi32>
    tpu.vector_store %arg5[%swap3A_14, %swap3A_15], %swap3A_18 {strides = array<i32>} : memref<8x64xi32, #tpu.memory_space<vmem>>, vector<1x16xi32>,
    %get3A_19 = arith.constant 0 : i32
    %get3A_20 = arith.index_cast %get3A_19 : i32 to index
    %get3A_21 = arith.constant 16 : index
    %get3A_22 = tpu.vector_load %arg5[%get3A_20, %get3A_21] {strides = array<i32>} : memref<8x64xi32, #tpu.memory_space<vmem>>, vector<1x16xi32>,
    %get3A_23 = vector.shape_cast %get3A_22 : vector<1x16xi32> to vector<16xi32>
    %jit3A_24 = arith.constant 0 : i32
    %jit3A_25 = arith.constant 10 : i32
    %max3A_26 = vector.broadcast %jit3A_24 : i32 to vector<16xi32>
    %max3A_27 = arith.maxsi %max3A_26, %get3A_23 : vector<16xi32>
    %min3A_28 = vector.broadcast %jit3A_25 : i32 to vector<16xi32>
    %min3A_29 = arith.minsi %min3A_28, %max3A_27 : vector<16xi32>
    %eq3A_30 = arith.constant 0 : i32
    %eq3A_31 = vector.broadcast %eq3A_30 : i32 to vector<16xi32>
    %eq3A_32 = arith.cmpi eq, %min3A_29, %eq3A_31 : vector<16xi32>
    %jit3A_33 = arith.constant 11 : i32
    %broadcast_in_dim3A_34 = vector.broadcast %jit3A_33 : i32 to vector<16xi32>
    %select_n3A_35 = arith.select %eq3A_32, %broadcast_in_dim3A_34, %min3A_29 : vector<16xi1>, vector<16xi32>
    %swap3A_36 = arith.constant 0 : i32
    %swap3A_37 = arith.index_cast %swap3A_36 : i32 to index
    %swap3A_38 = arith.constant 16 : index
    %swap3A_39 = tpu.vector_load %arg5[%swap3A_37, %swap3A_38] {strides = array<i32>} : memref<8x64xi32, #tpu.memory_space<vmem>>, vector<1x16xi32>,
    %swap3A_40 = vector.shape_cast %swap3A_39 : vector<1x16xi32> to vector<16xi32>
    %swap3A_41 = vector.shape_cast %select_n3A_35 : vector<16xi32> to vector<1x16xi32>
    tpu.vector_store %arg5[%swap3A_37, %swap3A_38], %swap3A_41 {strides = array<i32>} : memref<8x64xi32, #tpu.memory_space<vmem>>, vector<1x16xi32>,
    %get3A_42 = arith.constant 0 : i32
    %get3A_43 = arith.index_cast %get3A_42 : i32 to index
    %get3A_44 = arith.constant 32 : index
    %get3A_45 = tpu.vector_load %arg5[%get3A_43, %get3A_44] {strides = array<i32>} : memref<8x64xi32, #tpu.memory_space<vmem>>, vector<1x16xi32>,
    %get3A_46 = vector.shape_cast %get3A_45 : vector<1x16xi32> to vector<16xi32>
    %jit3A_47 = arith.constant 0 : i32
    %jit3A_48 = arith.constant 10 : i32
    %max3A_49 = vector.broadcast %jit3A_47 : i32 to vector<16xi32>
    %max3A_50 = arith.maxsi %max3A_49, %get3A_46 : vector<16xi32>
    %min3A_51 = vector.broadcast %jit3A_48 : i32 to vector<16xi32>
    %min3A_52 = arith.minsi %min3A_51, %max3A_50 : vector<16xi32>
    %eq3A_53 = arith.constant 0 : i32
    %eq3A_54 = vector.broadcast %eq3A_53 : i32 to vector<16xi32>
    %eq3A_55 = arith.cmpi eq, %min3A_52, %eq3A_54 : vector<16xi32>
    %jit3A_56 = arith.constant 11 : i32
    %broadcast_in_dim3A_57 = vector.broadcast %jit3A_56 : i32 to vector<16xi32>
    %select_n3A_58 = arith.select %eq3A_55, %broadcast_in_dim3A_57, %min3A_52 : vector<16xi1>, vector<16xi32>
    %swap3A_59 = arith.constant 0 : i32
    %swap3A_60 = arith.index_cast %swap3A_59 : i32 to index
    %swap3A_61 = arith.constant 32 : index
    %swap3A_62 = tpu.vector_load %arg5[%swap3A_60, %swap3A_61] {strides = array<i32>} : memref<8x64xi32, #tpu.memory_space<vmem>>, vector<1x16xi32>,
    %swap3A_63 = vector.shape_cast %swap3A_62 : vector<1x16xi32> to vector<16xi32>
    %swap3A_64 = vector.shape_cast %select_n3A_58 : vector<16xi32> to vector<1x16xi32>
    tpu.vector_store %arg5[%swap3A_60, %swap3A_61], %swap3A_64 {strides = array<i32>} : memref<8x64xi32, #tpu.memory_space<vmem>>, vector<1x16xi32>,
    %get3A_65 = arith.constant 0 : i32
    %get3A_66 = arith.index_cast %get3A_65 : i32 to index
    %get3A_67 = arith.constant 48 : index
    %get3A_68 = tpu.vector_load %arg5[%get3A_66, %get3A_67] {strides = array<i32>} : memref<8x64xi32, #tpu.memory_space<vmem>>, vector<1x16xi32>,
    %get3A_69 = vector.shape_cast %get3A_68 : vector<1x16xi32> to vector<16xi32>
    %jit3A_70 = arith.constant 0 : i32
    %jit3A_71 = arith.constant 10 : i32
    %max3A_72 = vector.broadcast %jit3A_70 : i32 to vector<16xi32>
    %max3A_73 = arith.maxsi %max3A_72, %get3A_69 : vector<16xi32>
    %min3A_74 = vector.broadcast %jit3A_71 : i32 to vector<16xi32>
    %min3A_75 = arith.minsi %min3A_74, %max3A_73 : vector<16xi32>
    %eq3A_76 = arith.constant 0 : i32
    %eq3A_77 = vector.broadcast %eq3A_76 : i32 to vector<16xi32>
    %eq3A_78 = arith.cmpi eq, %min3A_75, %eq3A_77 : vector<16xi32>
    %jit3A_79 = arith.constant 11 : i32
    %broadcast_in_dim3A_80 = vector.broadcast %jit3A_79 : i32 to vector<16xi32>
    %select_n3A_81 = arith.select %eq3A_78, %broadcast_in_dim3A_80, %min3A_75 : vector<16xi1>, vector<16xi32>
    %swap3A_82 = arith.constant 0 : i32
    %swap3A_83 = arith.index_cast %swap3A_82 : i32 to index
    %swap3A_84 = arith.constant 48 : index
    %swap3A_85 = tpu.vector_load %arg5[%swap3A_83, %swap3A_84] {strides = array<i32>} : memref<8x64xi32, #tpu.memory_space<vmem>>, vector<1x16xi32>,
    %swap3A_86 = vector.shape_cast %swap3A_85 : vector<1x16xi32> to vector<16xi32>
    %swap3A_87 = vector.shape_cast %select_n3A_81 : vector<16xi32> to vector<1x16xi32>
    tpu.vector_store %arg5[%swap3A_83, %swap3A_84], %swap3A_87 {strides = array<i32>} : memref<8x64xi32, #tpu.memory_space<vmem>>, vector<1x16xi32>,
    %get3A_88 = arith.constant 1 : i32
    %get3A_89 = arith.index_cast %get3A_88 : i32 to index
    %get3A_90 = arith.constant 0 : index
    %get3A_91 = tpu.vector_load %arg5[%get3A_89, %get3A_90] {strides = array<i32>} : memref<8x64xi32, #tpu.memory_space<vmem>>, vector<1x16xi32>,
    %get3A_92 = vector.shape_cast %get3A_91 : vector<1x16xi32> to vector<16xi32>
    %jit3A_93 = arith.constant 0 : i32
    %jit3A_94 = arith.constant 10 : i32
    %max3A_95 = vector.broadcast %jit3A_93 : i32 to vector<16xi32>
    %max3A_96 = arith.maxsi %max3A_95, %get3A_92 : vector<16xi32>
    %min3A_97 = vector.broadcast %jit3A_94 : i32 to vector<16xi32>
    %min3A_98 = arith.minsi %min3A_97, %max3A_96 : vector<16xi32>
    %eq3A_99 = arith.constant 0 : i32
    %eq3A_100 = vector.broadcast %eq3A_99 : i32 to vector<16xi32>
    %eq3A_101 = arith.cmpi eq, %min3A_98, %eq3A_100 : vector<16xi32>
    %jit3A_102 = arith.constant 11 : i32
    %broadcast_in_dim3A_103 = vector.broadcast %jit3A_102 : i32 to vector<16xi32>
    %select_n3A_104 = arith.select %eq3A_101, %broadcast_in_dim3A_103, %min3A_98 : vector<16xi1>, vector<16xi32>
    %swap3A_105 = arith.constant 1 : i32
    %swap3A_106 = arith.index_cast %swap3A_105 : i32 to index
    %swap3A_107 = arith.constant 0 : index
    %swap3A_108 = tpu.vector_load %arg5[%swap3A_106, %swap3A_107] {strides = array<i32>} : memref<8x64xi32, #tpu.memory_space<vmem>>, vector<1x16xi32>,
    %swap3A_109 = vector.shape_cast %swap3A_108 : vector<1x16xi32> to vector<16xi32>
    %swap3A_110 = vector.shape_cast %select_n3A_104 : vector<16xi32> to vector<1x16xi32>
    tpu.vector_store %arg5[%swap3A_106, %swap3A_107], %swap3A_110 {strides = array<i32>} : memref<8x64xi32, #tpu.memory_space<vmem>>, vector<1x16xi32>,
    %get3A_111 = arith.constant 1 : i32
    %get3A_112 = arith.index_cast %get3A_111 : i32 to index
    %get3A_113 = arith.constant 16 : index
    %get3A_114 = tpu.vector_load %arg5[%get3A_112, %get3A_113] {strides = array<i32>} : memref<8x64xi32, #tpu.memory_space<vmem>>, vector<1x16xi32>,
    %get3A_115 = vector.shape_cast %get3A_114 : vector<1x16xi32> to vector<16xi32>
    %jit3A_116 = arith.constant 0 : i32
    %jit3A_117 = arith.constant 10 : i32
    %max3A_118 = vector.broadcast %jit3A_116 : i32 to vector<16xi32>
    %max3A_119 = arith.maxsi %max3A_118, %get3A_115 : vector<16xi32>
    %min3A_120 = vector.broadcast %jit3A_117 : i32 to vector<16xi32>
    %min3A_121 = arith.minsi %min3A_120, %max3A_119 : vector<16xi32>
    %eq3A_122 = arith.constant 0 : i32
    %eq3A_123 = vector.broadcast %eq3A_122 : i32 to vector<16xi32>
    %eq3A_124 = arith.cmpi eq, %min3A_121, %eq3A_123 : vector<16xi32>
    %jit3A_125 = arith.constant 11 : i32
    %broadcast_in_dim3A_126 = vector.broadcast %jit3A_125 : i32 to vector<16xi32>
    %select_n3A_127 = arith.select %eq3A_124, %broadcast_in_dim3A_126, %min3A_121 : vector<16xi1>, vector<16xi32>
    %swap3A_128 = arith.constant 1 : i32
    %swap3A_129 = arith.index_cast %swap3A_128 : i32 to index
    %swap3A_130 = arith.constant 16 : index
    %swap3A_131 = tpu.vector_load %arg5[%swap3A_129, %swap3A_130] {strides = array<i32>} : memref<8x64xi32, #tpu.memory_space<vmem>>, vector<1x16xi32>,
    %swap3A_132 = vector.shape_cast %swap3A_131 : vector<1x16xi32> to vector<16xi32>
    %swap3A_133 = vector.shape_cast %select_n3A_127 : vector<16xi32> to vector<1x16xi32>
    tpu.vector_store %arg5[%swap3A_129, %swap3A_130], %swap3A_133 {strides = array<i32>} : memref<8x64xi32, #tpu.memory_space<vmem>>, vector<1x16xi32>,
    %get3A_134 = arith.constant 1 : i32
    %get3A_135 = arith.index_cast %get3A_134 : i32 to index
    %get3A_136 = arith.constant 32 : index
    %get3A_137 = tpu.vector_load %arg5[%get3A_135, %get3A_136] {strides = array<i32>} : memref<8x64xi32, #tpu.memory_space<vmem>>, vector<1x16xi32>,
    %get3A_138 = vector.shape_cast %get3A_137 : vector<1x16xi32> to vector<16xi32>
    %jit3A_139 = arith.constant 0 : i32
    %jit3A_140 = arith.constant 10 : i32
    %max3A_141 = vector.broadcast %jit3A_139 : i32 to vector<16xi32>
    %max3A_142 = arith.maxsi %max3A_141, %get3A_138 : vector<16xi32>
    %min3A_143 = vector.broadcast %jit3A_140 : i32 to vector<16xi32>
    %min3A_144 = arith.minsi %min3A_143, %max3A_142 : vector<16xi32>
    %eq3A_145 = arith.constant 0 : i32
    %eq3A_146 = vector.broadcast %eq3A_145 : i32 to vector<16xi32>
    %eq3A_147 = arith.cmpi eq, %min3A_144, %eq3A_146 : vector<16xi32>
    %jit3A_148 = arith.constant 11 : i32
    %broadcast_in_dim3A_149 = vector.broadcast %jit3A_148 : i32 to vector<16xi32>
    %select_n3A_150 = arith.select %eq3A_147, %broadcast_in_dim3A_149, %min3A_144 : vector<16xi1>, vector<16xi32>
    %swap3A_151 = arith.constant 1 : i32
    %swap3A_152 = arith.index_cast %swap3A_151 : i32 to index
    %swap3A_153 = arith.constant 32 : index
    %swap3A_154 = tpu.vector_load %arg5[%swap3A_152, %swap3A_153] {strides = array<i32>} : memref<8x64xi32, #tpu.memory_space<vmem>>, vector<1x16xi32>,
    %swap3A_155 = vector.shape_cast %swap3A_154 : vector<1x16xi32> to vector<16xi32>
    %swap3A_156 = vector.shape_cast %select_n3A_150 : vector<16xi32> to vector<1x16xi32>
    tpu.vector_store %arg5[%swap3A_152, %swap3A_153], %swap3A_156 {strides = array<i32>} : memref<8x64xi32, #tpu.memory_space<vmem>>, vector<1x16xi32>,
    %get3A_157 = arith.constant 1 : i32
    %get3A_158 = arith.index_cast %get3A_157 : i32 to index
    %get3A_159 = arith.constant 48 : index
    %get3A_160 = tpu.vector_load %arg5[%get3A_158, %get3A_159] {strides = array<i32>} : memref<8x64xi32, #tpu.memory_space<vmem>>, vector<1x16xi32>,
    %get3A_161 = vector.shape_cast %get3A_160 : vector<1x16xi32> to vector<16xi32>
    %jit3A_162 = arith.constant 0 : i32
    %jit3A_163 = arith.constant 10 : i32
    %max3A_164 = vector.broadcast %jit3A_162 : i32 to vector<16xi32>
    %max3A_165 = arith.maxsi %max3A_164, %get3A_161 : vector<16xi32>
    %min3A_166 = vector.broadcast %jit3A_163 : i32 to vector<16xi32>
    %min3A_167 = arith.minsi %min3A_166, %max3A_165 : vector<16xi32>
    %eq3A_168 = arith.constant 0 : i32
    %eq3A_169 = vector.broadcast %eq3A_168 : i32 to vector<16xi32>
    %eq3A_170 = arith.cmpi eq, %min3A_167, %eq3A_169 : vector<16xi32>
    %jit3A_171 = arith.constant 11 : i32
    %broadcast_in_dim3A_172 = vector.broadcast %jit3A_171 : i32 to vector<16xi32>
    %select_n3A_173 = arith.select %eq3A_170, %broadcast_in_dim3A_172, %min3A_167 : vector<16xi1>, vector<16xi32>
    %swap3A_174 = arith.constant 1 : i32
    %swap3A_175 = arith.index_cast %swap3A_174 : i32 to index
    %swap3A_176 = arith.constant 48 : index
    %swap3A_177 = tpu.vector_load %arg5[%swap3A_175, %swap3A_176] {strides = array<i32>} : memref<8x64xi32, #tpu.memory_space<vmem>>, vector<1x16xi32>,
    %swap3A_178 = vector.shape_cast %swap3A_177 : vector<1x16xi32> to vector<16xi32>
    %swap3A_179 = vector.shape_cast %select_n3A_173 : vector<16xi32> to vector<1x16xi32>
    tpu.vector_store %arg5[%swap3A_175, %swap3A_176], %swap3A_179 {strides = array<i32>} : memref<8x64xi32, #tpu.memory_space<vmem>>, vector<1x16xi32>,
    %get3A_180 = arith.constant 2 : i32
    %get3A_181 = arith.index_cast %get3A_180 : i32 to index
    %get3A_182 = arith.constant 0 : index
    %get3A_183 = tpu.vector_load %arg5[%get3A_181, %get3A_182] {strides = array<i32>} : memref<8x64xi32, #tpu.memory_space<vmem>>, vector<1x16xi32>,
    %get3A_184 = vector.shape_cast %get3A_183 : vector<1x16xi32> to vector<16xi32>
    %jit3A_185 = arith.constant 0 : i32
    %jit3A_186 = arith.constant 10 : i32
    %max3A_187 = vector.broadcast %jit3A_185 : i32 to vector<16xi32>
    %max3A_188 = arith.maxsi %max3A_187, %get3A_184 : vector<16xi32>
    %min3A_189 = vector.broadcast %jit3A_186 : i32 to vector<16xi32>
    %min3A_190 = arith.minsi %min3A_189, %max3A_188 : vector<16xi32>
    %eq3A_191 = arith.constant 0 : i32
    %eq3A_192 = vector.broadcast %eq3A_191 : i32 to vector<16xi32>
    %eq3A_193 = arith.cmpi eq, %min3A_190, %eq3A_192 : vector<16xi32>
    %jit3A_194 = arith.constant 11 : i32
    %broadcast_in_dim3A_195 = vector.broadcast %jit3A_194 : i32 to vector<16xi32>
    %select_n3A_196 = arith.select %eq3A_193, %broadcast_in_dim3A_195, %min3A_190 : vector<16xi1>, vector<16xi32>
    %swap3A_197 = arith.constant 2 : i32
    %swap3A_198 = arith.index_cast %swap3A_197 : i32 to index
    %swap3A_199 = arith.constant 0 : index
    %swap3A_200 = tpu.vector_load %arg5[%swap3A_198, %swap3A_199] {strides = array<i32>} : memref<8x64xi32, #tpu.memory_space<vmem>>, vector<1x16xi32>,
    %swap3A_201 = vector.shape_cast %swap3A_200 : vector<1x16xi32> to vector<16xi32>
    %swap3A_202 = vector.shape_cast %select_n3A_196 : vector<16xi32> to vector<1x16xi32>
    tpu.vector_store %arg5[%swap3A_198, %swap3A_199], %swap3A_202 {strides = array<i32>} : memref<8x64xi32, #tpu.memory_space<vmem>>, vector<1x16xi32>,
    %get3A_203 = arith.constant 2 : i32
    %get3A_204 = arith.index_cast %get3A_203 : i32 to index
    %get3A_205 = arith.constant 16 : index
    %get3A_206 = tpu.vector_load %arg5[%get3A_204, %get3A_205] {strides = array<i32>} : memref<8x64xi32, #tpu.memory_space<vmem>>, vector<1x16xi32>,
    %get3A_207 = vector.shape_cast %get3A_206 : vector<1x16xi32> to vector<16xi32>
    %jit3A_208 = arith.constant 0 : i32
    %jit3A_209 = arith.constant 10 : i32
    %max3A_210 = vector.broadcast %jit3A_208 : i32 to vector<16xi32>
    %max3A_211 = arith.maxsi %max3A_210, %get3A_207 : vector<16xi32>
    %min3A_212 = vector.broadcast %jit3A_209 : i32 to vector<16xi32>
    %min3A_213 = arith.minsi %min3A_212, %max3A_211 : vector<16xi32>
    %eq3A_214 = arith.constant 0 : i32
    %eq3A_215 = vector.broadcast %eq3A_214 : i32 to vector<16xi32>
    %eq3A_216 = arith.cmpi eq, %min3A_213, %eq3A_215 : vector<16xi32>
    %jit3A_217 = arith.constant 11 : i32
    %broadcast_in_dim3A_218 = vector.broadcast %jit3A_217 : i32 to vector<16xi32>
    %select_n3A_219 = arith.select %eq3A_216, %broadcast_in_dim3A_218, %min3A_213 : vector<16xi1>, vector<16xi32>
    %swap3A_220 = arith.constant 2 : i32
    %swap3A_221 = arith.index_cast %swap3A_220 : i32 to index
    %swap3A_222 = arith.constant 16 : index
    %swap3A_223 = tpu.vector_load %arg5[%swap3A_221, %swap3A_222] {strides = array<i32>} : memref<8x64xi32, #tpu.memory_space<vmem>>, vector<1x16xi32>,
    %swap3A_224 = vector.shape_cast %swap3A_223 : vector<1x16xi32> to vector<16xi32>
    %swap3A_225 = vector.shape_cast %select_n3A_219 : vector<16xi32> to vector<1x16xi32>
    tpu.vector_store %arg5[%swap3A_221, %swap3A_222], %swap3A_225 {strides = array<i32>} : memref<8x64xi32, #tpu.memory_space<vmem>>, vector<1x16xi32>,
    %get3A_226 = arith.constant 2 : i32
    %get3A_227 = arith.index_cast %get3A_226 : i32 to index
    %get3A_228 = arith.constant 32 : index
    %get3A_229 = tpu.vector_load %arg5[%get3A_227, %get3A_228] {strides = array<i32>} : memref<8x64xi32, #tpu.memory_space<vmem>>, vector<1x16xi32>,
    %get3A_230 = vector.shape_cast %get3A_229 : vector<1x16xi32> to vector<16xi32>
    %jit3A_231 = arith.constant 0 : i32
    %jit3A_232 = arith.constant 10 : i32
    %max3A_233 = vector.broadcast %jit3A_231 : i32 to vector<16xi32>
    %max3A_234 = arith.maxsi %max3A_233, %get3A_230 : vector<16xi32>
    %min3A_235 = vector.broadcast %jit3A_232 : i32 to vector<16xi32>
    %min3A_236 = arith.minsi %min3A_235, %max3A_234 : vector<16xi32>
    %eq3A_237 = arith.constant 0 : i32
    %eq3A_238 = vector.broadcast %eq3A_237 : i32 to vector<16xi32>
    %eq3A_239 = arith.cmpi eq, %min3A_236, %eq3A_238 : vector<16xi32>
    %jit3A_240 = arith.constant 11 : i32
    %broadcast_in_dim3A_241 = vector.broadcast %jit3A_240 : i32 to vector<16xi32>
    %select_n3A_242 = arith.select %eq3A_239, %broadcast_in_dim3A_241, %min3A_236 : vector<16xi1>, vector<16xi32>
    %swap3A_243 = arith.constant 2 : i32
    %swap3A_244 = arith.index_cast %swap3A_243 : i32 to index
    %swap3A_245 = arith.constant 32 : index
    %swap3A_246 = tpu.vector_load %arg5[%swap3A_244, %swap3A_245] {strides = array<i32>} : memref<8x64xi32, #tpu.memory_space<vmem>>, vector<1x16xi32>,
    %swap3A_247 = vector.shape_cast %swap3A_246 : vector<1x16xi32> to vector<16xi32>
    %swap3A_248 = vector.shape_cast %select_n3A_242 : vector<16xi32> to vector<1x16xi32>
    tpu.vector_store %arg5[%swap3A_244, %swap3A_245], %swap3A_248 {strides = array<i32>} : memref<8x64xi32, #tpu.memory_space<vmem>>, vector<1x16xi32>,
    %get3A_249 = arith.constant 2 : i32
    %get3A_250 = arith.index_cast %get3A_249 : i32 to index
    %get3A_251 = arith.constant 48 : index
    %get3A_252 = tpu.vector_load %arg5[%get3A_250, %get3A_251] {strides = array<i32>} : memref<8x64xi32, #tpu.memory_space<vmem>>, vector<1x16xi32>,
    %get3A_253 = vector.shape_cast %get3A_252 : vector<1x16xi32> to vector<16xi32>
    %jit3A_254 = arith.constant 0 : i32
    %jit3A_255 = arith.constant 10 : i32
    %max3A_256 = vector.broadcast %jit3A_254 : i32 to vector<16xi32>
    %max3A_257 = arith.maxsi %max3A_256, %get3A_253 : vector<16xi32>
    %min3A_258 = vector.broadcast %jit3A_255 : i32 to vector<16xi32>
    %min3A_259 = arith.minsi %min3A_258, %max3A_257 : vector<16xi32>
    %eq3A_260 = arith.constant 0 : i32
    %eq3A_261 = vector.broadcast %eq3A_260 : i32 to vector<16xi32>
    %eq3A_262 = arith.cmpi eq, %min3A_259, %eq3A_261 : vector<16xi32>
    %jit3A_263 = arith.constant 11 : i32
    %broadcast_in_dim3A_264 = vector.broadcast %jit3A_263 : i32 to vector<16xi32>
    %select_n3A_265 = arith.select %eq3A_262, %broadcast_in_dim3A_264, %min3A_259 : vector<16xi1>, vector<16xi32>
    %swap3A_266 = arith.constant 2 : i32
    %swap3A_267 = arith.index_cast %swap3A_266 : i32 to index
    %swap3A_268 = arith.constant 48 : index
    %swap3A_269 = tpu.vector_load %arg5[%swap3A_267, %swap3A_268] {strides = array<i32>} : memref<8x64xi32, #tpu.memory_space<vmem>>, vector<1x16xi32>,
    %swap3A_270 = vector.shape_cast %swap3A_269 : vector<1x16xi32> to vector<16xi32>
    %swap3A_271 = vector.shape_cast %select_n3A_265 : vector<16xi32> to vector<1x16xi32>
    tpu.vector_store %arg5[%swap3A_267, %swap3A_268], %swap3A_271 {strides = array<i32>} : memref<8x64xi32, #tpu.memory_space<vmem>>, vector<1x16xi32>,
    %get3A_272 = arith.constant 3 : i32
    %get3A_273 = arith.index_cast %get3A_272 : i32 to index
    %get3A_274 = arith.constant 0 : index
    %get3A_275 = tpu.vector_load %arg5[%get3A_273, %get3A_274] {strides = array<i32>} : memref<8x64xi32, #tpu.memory_space<vmem>>, vector<1x16xi32>,
    %get3A_276 = vector.shape_cast %get3A_275 : vector<1x16xi32> to vector<16xi32>
    %jit3A_277 = arith.constant 0 : i32
    %jit3A_278 = arith.constant 10 : i32
    %max3A_279 = vector.broadcast %jit3A_277 : i32 to vector<16xi32>
    %max3A_280 = arith.maxsi %max3A_279, %get3A_276 : vector<16xi32>
    %min3A_281 = vector.broadcast %jit3A_278 : i32 to vector<16xi32>
    %min3A_282 = arith.minsi %min3A_281, %max3A_280 : vector<16xi32>
    %eq3A_283 = arith.constant 0 : i32
    %eq3A_284 = vector.broadcast %eq3A_283 : i32 to vector<16xi32>
    %eq3A_285 = arith.cmpi eq, %min3A_282, %eq3A_284 : vector<16xi32>
    %jit3A_286 = arith.constant 11 : i32
    %broadcast_in_dim3A_287 = vector.broadcast %jit3A_286 : i32 to vector<16xi32>
    %select_n3A_288 = arith.select %eq3A_285, %broadcast_in_dim3A_287, %min3A_282 : vector<16xi1>, vector<16xi32>
    %swap3A_289 = arith.constant 3 : i32
    %swap3A_290 = arith.index_cast %swap3A_289 : i32 to index
    %swap3A_291 = arith.constant 0 : index
    %swap3A_292 = tpu.vector_load %arg5[%swap3A_290, %swap3A_291] {strides = array<i32>} : memref<8x64xi32, #tpu.memory_space<vmem>>, vector<1x16xi32>,
    %swap3A_293 = vector.shape_cast %swap3A_292 : vector<1x16xi32> to vector<16xi32>
    %swap3A_294 = vector.shape_cast %select_n3A_288 : vector<16xi32> to vector<1x16xi32>
    tpu.vector_store %arg5[%swap3A_290, %swap3A_291], %swap3A_294 {strides = array<i32>} : memref<8x64xi32, #tpu.memory_space<vmem>>, vector<1x16xi32>,
    %get3A_295 = arith.constant 3 : i32
    %get3A_296 = arith.index_cast %get3A_295 : i32 to index
    %get3A_297 = arith.constant 16 : index
    %get3A_298 = tpu.vector_load %arg5[%get3A_296, %get3A_297] {strides = array<i32>} : memref<8x64xi32, #tpu.memory_space<vmem>>, vector<1x16xi32>,
    %get3A_299 = vector.shape_cast %get3A_298 : vector<1x16xi32> to vector<16xi32>
    %jit3A_300 = arith.constant 0 : i32
    %jit3A_301 = arith.constant 10 : i32
    %max3A_302 = vector.broadcast %jit3A_300 : i32 to vector<16xi32>
    %max3A_303 = arith.maxsi %max3A_302, %get3A_299 : vector<16xi32>
    %min3A_304 = vector.broadcast %jit3A_301 : i32 to vector<16xi32>
    %min3A_305 = arith.minsi %min3A_304, %max3A_303 : vector<16xi32>
    %eq3A_306 = arith.constant 0 : i32
    %eq3A_307 = vector.broadcast %eq3A_306 : i32 to vector<16xi32>
    %eq3A_308 = arith.cmpi eq, %min3A_305, %eq3A_307 : vector<16xi32>
    %jit3A_309 = arith.constant 11 : i32
    %broadcast_in_dim3A_310 = vector.broadcast %jit3A_309 : i32 to vector<16xi32>
    %select_n3A_311 = arith.select %eq3A_308, %broadcast_in_dim3A_310, %min3A_305 : vector<16xi1>, vector<16xi32>
    %swap3A_312 = arith.constant 3 : i32
    %swap3A_313 = arith.index_cast %swap3A_312 : i32 to index
    %swap3A_314 = arith.constant 16 : index
    %swap3A_315 = tpu.vector_load %arg5[%swap3A_313, %swap3A_314] {strides = array<i32>} : memref<8x64xi32, #tpu.memory_space<vmem>>, vector<1x16xi32>,
    %swap3A_316 = vector.shape_cast %swap3A_315 : vector<1x16xi32> to vector<16xi32>
    %swap3A_317 = vector.shape_cast %select_n3A_311 : vector<16xi32> to vector<1x16xi32>
    tpu.vector_store %arg5[%swap3A_313, %swap3A_314], %swap3A_317 {strides = array<i32>} : memref<8x64xi32, #tpu.memory_space<vmem>>, vector<1x16xi32>,
    %get3A_318 = arith.constant 3 : i32
    %get3A_319 = arith.index_cast %get3A_318 : i32 to index
    %get3A_320 = arith.constant 32 : index
    %get3A_321 = tpu.vector_load %arg5[%get3A_319, %get3A_320] {strides = array<i32>} : memref<8x64xi32, #tpu.memory_space<vmem>>, vector<1x16xi32>,
    %get3A_322 = vector.shape_cast %get3A_321 : vector<1x16xi32> to vector<16xi32>
    %jit3A_323 = arith.constant 0 : i32
    %jit3A_324 = arith.constant 10 : i32
    %max3A_325 = vector.broadcast %jit3A_323 : i32 to vector<16xi32>
    %max3A_326 = arith.maxsi %max3A_325, %get3A_322 : vector<16xi32>
    %min3A_327 = vector.broadcast %jit3A_324 : i32 to vector<16xi32>
    %min3A_328 = arith.minsi %min3A_327, %max3A_326 : vector<16xi32>
    %eq3A_329 = arith.constant 0 : i32
    %eq3A_330 = vector.broadcast %eq3A_329 : i32 to vector<16xi32>
    %eq3A_331 = arith.cmpi eq, %min3A_328, %eq3A_330 : vector<16xi32>
    %jit3A_332 = arith.constant 11 : i32
    %broadcast_in_dim3A_333 = vector.broadcast %jit3A_332 : i32 to vector<16xi32>
    %select_n3A_334 = arith.select %eq3A_331, %broadcast_in_dim3A_333, %min3A_328 : vector<16xi1>, vector<16xi32>
    %swap3A_335 = arith.constant 3 : i32
    %swap3A_336 = arith.index_cast %swap3A_335 : i32 to index
    %swap3A_337 = arith.constant 32 : index
    %swap3A_338 = tpu.vector_load %arg5[%swap3A_336, %swap3A_337] {strides = array<i32>} : memref<8x64xi32, #tpu.memory_space<vmem>>, vector<1x16xi32>,
    %swap3A_339 = vector.shape_cast %swap3A_338 : vector<1x16xi32> to vector<16xi32>
    %swap3A_340 = vector.shape_cast %select_n3A_334 : vector<16xi32> to vector<1x16xi32>
    tpu.vector_store %arg5[%swap3A_336, %swap3A_337], %swap3A_340 {strides = array<i32>} : memref<8x64xi32, #tpu.memory_space<vmem>>, vector<1x16xi32>,
    %get3A_341 = arith.constant 3 : i32
    %get3A_342 = arith.index_cast %get3A_341 : i32 to index
    %get3A_343 = arith.constant 48 : index
    %get3A_344 = tpu.vector_load %arg5[%get3A_342, %get3A_343] {strides = array<i32>} : memref<8x64xi32, #tpu.memory_space<vmem>>, vector<1x16xi32>,
    %get3A_345 = vector.shape_cast %get3A_344 : vector<1x16xi32> to vector<16xi32>
    %jit3A_346 = arith.constant 0 : i32
    %jit3A_347 = arith.constant 10 : i32
    %max3A_348 = vector.broadcast %jit3A_346 : i32 to vector<16xi32>
    %max3A_349 = arith.maxsi %max3A_348, %get3A_345 : vector<16xi32>
    %min3A_350 = vector.broadcast %jit3A_347 : i32 to vector<16xi32>
    %min3A_351 = arith.minsi %min3A_350, %max3A_349 : vector<16xi32>
    %eq3A_352 = arith.constant 0 : i32
    %eq3A_353 = vector.broadcast %eq3A_352 : i32 to vector<16xi32>
    %eq3A_354 = arith.cmpi eq, %min3A_351, %eq3A_353 : vector<16xi32>
    %jit3A_355 = arith.constant 11 : i32
    %broadcast_in_dim3A_356 = vector.broadcast %jit3A_355 : i32 to vector<16xi32>
    %select_n3A_357 = arith.select %eq3A_354, %broadcast_in_dim3A_356, %min3A_351 : vector<16xi1>, vector<16xi32>
    %swap3A_358 = arith.constant 3 : i32
    %swap3A_359 = arith.index_cast %swap3A_358 : i32 to index
    %swap3A_360 = arith.constant 48 : index
    %swap3A_361 = tpu.vector_load %arg5[%swap3A_359, %swap3A_360] {strides = array<i32>} : memref<8x64xi32, #tpu.memory_space<vmem>>, vector<1x16xi32>,
    %swap3A_362 = vector.shape_cast %swap3A_361 : vector<1x16xi32> to vector<16xi32>
    %swap3A_363 = vector.shape_cast %select_n3A_357 : vector<16xi32> to vector<1x16xi32>
    tpu.vector_store %arg5[%swap3A_359, %swap3A_360], %swap3A_363 {strides = array<i32>} : memref<8x64xi32, #tpu.memory_space<vmem>>, vector<1x16xi32>,
    %get3A_364 = arith.constant 4 : i32
    %get3A_365 = arith.index_cast %get3A_364 : i32 to index
    %get3A_366 = arith.constant 0 : index
    %get3A_367 = tpu.vector_load %arg5[%get3A_365, %get3A_366] {strides = array<i32>} : memref<8x64xi32, #tpu.memory_space<vmem>>, vector<1x16xi32>,
    %get3A_368 = vector.shape_cast %get3A_367 : vector<1x16xi32> to vector<16xi32>
    %jit3A_369 = arith.constant 0 : i32
    %jit3A_370 = arith.constant 10 : i32
    %max3A_371 = vector.broadcast %jit3A_369 : i32 to vector<16xi32>
    %max3A_372 = arith.maxsi %max3A_371, %get3A_368 : vector<16xi32>
    %min3A_373 = vector.broadcast %jit3A_370 : i32 to vector<16xi32>
    %min3A_374 = arith.minsi %min3A_373, %max3A_372 : vector<16xi32>
    %eq3A_375 = arith.constant 0 : i32
    %eq3A_376 = vector.broadcast %eq3A_375 : i32 to vector<16xi32>
    %eq3A_377 = arith.cmpi eq, %min3A_374, %eq3A_376 : vector<16xi32>
    %jit3A_378 = arith.constant 11 : i32
    %broadcast_in_dim3A_379 = vector.broadcast %jit3A_378 : i32 to vector<16xi32>
    %select_n3A_380 = arith.select %eq3A_377, %broadcast_in_dim3A_379, %min3A_374 : vector<16xi1>, vector<16xi32>
    %swap3A_381 = arith.constant 4 : i32
    %swap3A_382 = arith.index_cast %swap3A_381 : i32 to index
    %swap3A_383 = arith.constant 0 : index
    %swap3A_384 = tpu.vector_load %arg5[%swap3A_382, %swap3A_383] {strides = array<i32>} : memref<8x64xi32, #tpu.memory_space<vmem>>, vector<1x16xi32>,
    %swap3A_385 = vector.shape_cast %swap3A_384 : vector<1x16xi32> to vector<16xi32>
    %swap3A_386 = vector.shape_cast %select_n3A_380 : vector<16xi32> to vector<1x16xi32>
    tpu.vector_store %arg5[%swap3A_382, %swap3A_383], %swap3A_386 {strides = array<i32>} : memref<8x64xi32, #tpu.memory_space<vmem>>, vector<1x16xi32>,
    %get3A_387 = arith.constant 4 : i32
    %get3A_388 = arith.index_cast %get3A_387 : i32 to index
    %get3A_389 = arith.constant 16 : index
    %get3A_390 = tpu.vector_load %arg5[%get3A_388, %get3A_389] {strides = array<i32>} : memref<8x64xi32, #tpu.memory_space<vmem>>, vector<1x16xi32>,
    %get3A_391 = vector.shape_cast %get3A_390 : vector<1x16xi32> to vector<16xi32>
    %jit3A_392 = arith.constant 0 : i32
    %jit3A_393 = arith.constant 10 : i32
    %max3A_394 = vector.broadcast %jit3A_392 : i32 to vector<16xi32>
    %max3A_395 = arith.maxsi %max3A_394, %get3A_391 : vector<16xi32>
    %min3A_396 = vector.broadcast %jit3A_393 : i32 to vector<16xi32>
    %min3A_397 = arith.minsi %min3A_396, %max3A_395 : vector<16xi32>
    %eq3A_398 = arith.constant 0 : i32
    %eq3A_399 = vector.broadcast %eq3A_398 : i32 to vector<16xi32>
    %eq3A_400 = arith.cmpi eq, %min3A_397, %eq3A_399 : vector<16xi32>
    %jit3A_401 = arith.constant 11 : i32
    %broadcast_in_dim3A_402 = vector.broadcast %jit3A_401 : i32 to vector<16xi32>
    %select_n3A_403 = arith.select %eq3A_400, %broadcast_in_dim3A_402, %min3A_397 : vector<16xi1>, vector<16xi32>
    %swap3A_404 = arith.constant 4 : i32
    %swap3A_405 = arith.index_cast %swap3A_404 : i32 to index
    %swap3A_406 = arith.constant 16 : index
    %swap3A_407 = tpu.vector_load %arg5[%swap3A_405, %swap3A_406] {strides = array<i32>} : memref<8x64xi32, #tpu.memory_space<vmem>>, vector<1x16xi32>,
    %swap3A_408 = vector.shape_cast %swap3A_407 : vector<1x16xi32> to vector<16xi32>
    %swap3A_409 = vector.shape_cast %select_n3A_403 : vector<16xi32> to vector<1x16xi32>
    tpu.vector_store %arg5[%swap3A_405, %swap3A_406], %swap3A_409 {strides = array<i32>} : memref<8x64xi32, #tpu.memory_space<vmem>>, vector<1x16xi32>,
    %get3A_410 = arith.constant 4 : i32
    %get3A_411 = arith.index_cast %get3A_410 : i32 to index
    %get3A_412 = arith.constant 32 : index
    %get3A_413 = tpu.vector_load %arg5[%get3A_411, %get3A_412] {strides = array<i32>} : memref<8x64xi32, #tpu.memory_space<vmem>>, vector<1x16xi32>,
    %get3A_414 = vector.shape_cast %get3A_413 : vector<1x16xi32> to vector<16xi32>
    %jit3A_415 = arith.constant 0 : i32
    %jit3A_416 = arith.constant 10 : i32
    %max3A_417 = vector.broadcast %jit3A_415 : i32 to vector<16xi32>
    %max3A_418 = arith.maxsi %max3A_417, %get3A_414 : vector<16xi32>
    %min3A_419 = vector.broadcast %jit3A_416 : i32 to vector<16xi32>
    %min3A_420 = arith.minsi %min3A_419, %max3A_418 : vector<16xi32>
    %eq3A_421 = arith.constant 0 : i32
    %eq3A_422 = vector.broadcast %eq3A_421 : i32 to vector<16xi32>
    %eq3A_423 = arith.cmpi eq, %min3A_420, %eq3A_422 : vector<16xi32>
    %jit3A_424 = arith.constant 11 : i32
    %broadcast_in_dim3A_425 = vector.broadcast %jit3A_424 : i32 to vector<16xi32>
    %select_n3A_426 = arith.select %eq3A_423, %broadcast_in_dim3A_425, %min3A_420 : vector<16xi1>, vector<16xi32>
    %swap3A_427 = arith.constant 4 : i32
    %swap3A_428 = arith.index_cast %swap3A_427 : i32 to index
    %swap3A_429 = arith.constant 32 : index
    %swap3A_430 = tpu.vector_load %arg5[%swap3A_428, %swap3A_429] {strides = array<i32>} : memref<8x64xi32, #tpu.memory_space<vmem>>, vector<1x16xi32>,
    %swap3A_431 = vector.shape_cast %swap3A_430 : vector<1x16xi32> to vector<16xi32>
    %swap3A_432 = vector.shape_cast %select_n3A_426 : vector<16xi32> to vector<1x16xi32>
    tpu.vector_store %arg5[%swap3A_428, %swap3A_429], %swap3A_432 {strides = array<i32>} : memref<8x64xi32, #tpu.memory_space<vmem>>, vector<1x16xi32>,
    %get3A_433 = arith.constant 4 : i32
    %get3A_434 = arith.index_cast %get3A_433 : i32 to index
    %get3A_435 = arith.constant 48 : index
    %get3A_436 = tpu.vector_load %arg5[%get3A_434, %get3A_435] {strides = array<i32>} : memref<8x64xi32, #tpu.memory_space<vmem>>, vector<1x16xi32>,
    %get3A_437 = vector.shape_cast %get3A_436 : vector<1x16xi32> to vector<16xi32>
    %jit3A_438 = arith.constant 0 : i32
    %jit3A_439 = arith.constant 10 : i32
    %max3A_440 = vector.broadcast %jit3A_438 : i32 to vector<16xi32>
    %max3A_441 = arith.maxsi %max3A_440, %get3A_437 : vector<16xi32>
    %min3A_442 = vector.broadcast %jit3A_439 : i32 to vector<16xi32>
    %min3A_443 = arith.minsi %min3A_442, %max3A_441 : vector<16xi32>
    %eq3A_444 = arith.constant 0 : i32
    %eq3A_445 = vector.broadcast %eq3A_444 : i32 to vector<16xi32>
    %eq3A_446 = arith.cmpi eq, %min3A_443, %eq3A_445 : vector<16xi32>
    %jit3A_447 = arith.constant 11 : i32
    %broadcast_in_dim3A_448 = vector.broadcast %jit3A_447 : i32 to vector<16xi32>
    %select_n3A_449 = arith.select %eq3A_446, %broadcast_in_dim3A_448, %min3A_443 : vector<16xi1>, vector<16xi32>
    %swap3A_450 = arith.constant 4 : i32
    %swap3A_451 = arith.index_cast %swap3A_450 : i32 to index
    %swap3A_452 = arith.constant 48 : index
    %swap3A_453 = tpu.vector_load %arg5[%swap3A_451, %swap3A_452] {strides = array<i32>} : memref<8x64xi32, #tpu.memory_space<vmem>>, vector<1x16xi32>,
    %swap3A_454 = vector.shape_cast %swap3A_453 : vector<1x16xi32> to vector<16xi32>
    %swap3A_455 = vector.shape_cast %select_n3A_449 : vector<16xi32> to vector<1x16xi32>
    tpu.vector_store %arg5[%swap3A_451, %swap3A_452], %swap3A_455 {strides = array<i32>} : memref<8x64xi32, #tpu.memory_space<vmem>>, vector<1x16xi32>,
    %get3A_456 = arith.constant 5 : i32
    %get3A_457 = arith.index_cast %get3A_456 : i32 to index
    %get3A_458 = arith.constant 0 : index
    %get3A_459 = tpu.vector_load %arg5[%get3A_457, %get3A_458] {strides = array<i32>} : memref<8x64xi32, #tpu.memory_space<vmem>>, vector<1x16xi32>,
    %get3A_460 = vector.shape_cast %get3A_459 : vector<1x16xi32> to vector<16xi32>
    %jit3A_461 = arith.constant 0 : i32
    %jit3A_462 = arith.constant 10 : i32
    %max3A_463 = vector.broadcast %jit3A_461 : i32 to vector<16xi32>
    %max3A_464 = arith.maxsi %max3A_463, %get3A_460 : vector<16xi32>
    %min3A_465 = vector.broadcast %jit3A_462 : i32 to vector<16xi32>
    %min3A_466 = arith.minsi %min3A_465, %max3A_464 : vector<16xi32>
    %eq3A_467 = arith.constant 0 : i32
    %eq3A_468 = vector.broadcast %eq3A_467 : i32 to vector<16xi32>
    %eq3A_469 = arith.cmpi eq, %min3A_466, %eq3A_468 : vector<16xi32>
    %jit3A_470 = arith.constant 11 : i32
    %broadcast_in_dim3A_471 = vector.broadcast %jit3A_470 : i32 to vector<16xi32>
    %select_n3A_472 = arith.select %eq3A_469, %broadcast_in_dim3A_471, %min3A_466 : vector<16xi1>, vector<16xi32>
    %swap3A_473 = arith.constant 5 : i32
    %swap3A_474 = arith.index_cast %swap3A_473 : i32 to index
    %swap3A_475 = arith.constant 0 : index
    %swap3A_476 = tpu.vector_load %arg5[%swap3A_474, %swap3A_475] {strides = array<i32>} : memref<8x64xi32, #tpu.memory_space<vmem>>, vector<1x16xi32>,
    %swap3A_477 = vector.shape_cast %swap3A_476 : vector<1x16xi32> to vector<16xi32>
    %swap3A_478 = vector.shape_cast %select_n3A_472 : vector<16xi32> to vector<1x16xi32>
    tpu.vector_store %arg5[%swap3A_474, %swap3A_475], %swap3A_478 {strides = array<i32>} : memref<8x64xi32, #tpu.memory_space<vmem>>, vector<1x16xi32>,
    %get3A_479 = arith.constant 5 : i32
    %get3A_480 = arith.index_cast %get3A_479 : i32 to index
    %get3A_481 = arith.constant 16 : index
    %get3A_482 = tpu.vector_load %arg5[%get3A_480, %get3A_481] {strides = array<i32>} : memref<8x64xi32, #tpu.memory_space<vmem>>, vector<1x16xi32>,
    %get3A_483 = vector.shape_cast %get3A_482 : vector<1x16xi32> to vector<16xi32>
    %jit3A_484 = arith.constant 0 : i32
    %jit3A_485 = arith.constant 10 : i32
    %max3A_486 = vector.broadcast %jit3A_484 : i32 to vector<16xi32>
    %max3A_487 = arith.maxsi %max3A_486, %get3A_483 : vector<16xi32>
    %min3A_488 = vector.broadcast %jit3A_485 : i32 to vector<16xi32>
    %min3A_489 = arith.minsi %min3A_488, %max3A_487 : vector<16xi32>
    %eq3A_490 = arith.constant 0 : i32
    %eq3A_491 = vector.broadcast %eq3A_490 : i32 to vector<16xi32>
    %eq3A_492 = arith.cmpi eq, %min3A_489, %eq3A_491 : vector<16xi32>
    %jit3A_493 = arith.constant 11 : i32
    %broadcast_in_dim3A_494 = vector.broadcast %jit3A_493 : i32 to vector<16xi32>
    %select_n3A_495 = arith.select %eq3A_492, %broadcast_in_dim3A_494, %min3A_489 : vector<16xi1>, vector<16xi32>
    %swap3A_496 = arith.constant 5 : i32
    %swap3A_497 = arith.index_cast %swap3A_496 : i32 to index
    %swap3A_498 = arith.constant 16 : index
    %swap3A_499 = tpu.vector_load %arg5[%swap3A_497, %swap3A_498] {strides = array<i32>} : memref<8x64xi32, #tpu.memory_space<vmem>>, vector<1x16xi32>,
    %swap3A_500 = vector.shape_cast %swap3A_499 : vector<1x16xi32> to vector<16xi32>
    %swap3A_501 = vector.shape_cast %select_n3A_495 : vector<16xi32> to vector<1x16xi32>
    tpu.vector_store %arg5[%swap3A_497, %swap3A_498], %swap3A_501 {strides = array<i32>} : memref<8x64xi32, #tpu.memory_space<vmem>>, vector<1x16xi32>,
    %get3A_502 = arith.constant 5 : i32
    %get3A_503 = arith.index_cast %get3A_502 : i32 to index
    %get3A_504 = arith.constant 32 : index
    %get3A_505 = tpu.vector_load %arg5[%get3A_503, %get3A_504] {strides = array<i32>} : memref<8x64xi32, #tpu.memory_space<vmem>>, vector<1x16xi32>,
    %get3A_506 = vector.shape_cast %get3A_505 : vector<1x16xi32> to vector<16xi32>
    %jit3A_507 = arith.constant 0 : i32
    %jit3A_508 = arith.constant 10 : i32
    %max3A_509 = vector.broadcast %jit3A_507 : i32 to vector<16xi32>
    %max3A_510 = arith.maxsi %max3A_509, %get3A_506 : vector<16xi32>
    %min3A_511 = vector.broadcast %jit3A_508 : i32 to vector<16xi32>
    %min3A_512 = arith.minsi %min3A_511, %max3A_510 : vector<16xi32>
    %eq3A_513 = arith.constant 0 : i32
    %eq3A_514 = vector.broadcast %eq3A_513 : i32 to vector<16xi32>
    %eq3A_515 = arith.cmpi eq, %min3A_512, %eq3A_514 : vector<16xi32>
    %jit3A_516 = arith.constant 11 : i32
    %broadcast_in_dim3A_517 = vector.broadcast %jit3A_516 : i32 to vector<16xi32>
    %select_n3A_518 = arith.select %eq3A_515, %broadcast_in_dim3A_517, %min3A_512 : vector<16xi1>, vector<16xi32>
    %swap3A_519 = arith.constant 5 : i32
    %swap3A_520 = arith.index_cast %swap3A_519 : i32 to index
    %swap3A_521 = arith.constant 32 : index
    %swap3A_522 = tpu.vector_load %arg5[%swap3A_520, %swap3A_521] {strides = array<i32>} : memref<8x64xi32, #tpu.memory_space<vmem>>, vector<1x16xi32>,
    %swap3A_523 = vector.shape_cast %swap3A_522 : vector<1x16xi32> to vector<16xi32>
    %swap3A_524 = vector.shape_cast %select_n3A_518 : vector<16xi32> to vector<1x16xi32>
    tpu.vector_store %arg5[%swap3A_520, %swap3A_521], %swap3A_524 {strides = array<i32>} : memref<8x64xi32, #tpu.memory_space<vmem>>, vector<1x16xi32>,
    %get3A_525 = arith.constant 5 : i32
    %get3A_526 = arith.index_cast %get3A_525 : i32 to index
    %get3A_527 = arith.constant 48 : index
    %get3A_528 = tpu.vector_load %arg5[%get3A_526, %get3A_527] {strides = array<i32>} : memref<8x64xi32, #tpu.memory_space<vmem>>, vector<1x16xi32>,
    %get3A_529 = vector.shape_cast %get3A_528 : vector<1x16xi32> to vector<16xi32>
    %jit3A_530 = arith.constant 0 : i32
    %jit3A_531 = arith.constant 10 : i32
    %max3A_532 = vector.broadcast %jit3A_530 : i32 to vector<16xi32>
    %max3A_533 = arith.maxsi %max3A_532, %get3A_529 : vector<16xi32>
    %min3A_534 = vector.broadcast %jit3A_531 : i32 to vector<16xi32>
    %min3A_535 = arith.minsi %min3A_534, %max3A_533 : vector<16xi32>
    %eq3A_536 = arith.constant 0 : i32
    %eq3A_537 = vector.broadcast %eq3A_536 : i32 to vector<16xi32>
    %eq3A_538 = arith.cmpi eq, %min3A_535, %eq3A_537 : vector<16xi32>
    %jit3A_539 = arith.constant 11 : i32
    %broadcast_in_dim3A_540 = vector.broadcast %jit3A_539 : i32 to vector<16xi32>
    %select_n3A_541 = arith.select %eq3A_538, %broadcast_in_dim3A_540, %min3A_535 : vector<16xi1>, vector<16xi32>
    %swap3A_542 = arith.constant 5 : i32
    %swap3A_543 = arith.index_cast %swap3A_542 : i32 to index
    %swap3A_544 = arith.constant 48 : index
    %swap3A_545 = tpu.vector_load %arg5[%swap3A_543, %swap3A_544] {strides = array<i32>} : memref<8x64xi32, #tpu.memory_space<vmem>>, vector<1x16xi32>,
    %swap3A_546 = vector.shape_cast %swap3A_545 : vector<1x16xi32> to vector<16xi32>
    %swap3A_547 = vector.shape_cast %select_n3A_541 : vector<16xi32> to vector<1x16xi32>
    tpu.vector_store %arg5[%swap3A_543, %swap3A_544], %swap3A_547 {strides = array<i32>} : memref<8x64xi32, #tpu.memory_space<vmem>>, vector<1x16xi32>,
    %get3A_548 = arith.constant 6 : i32
    %get3A_549 = arith.index_cast %get3A_548 : i32 to index
    %get3A_550 = arith.constant 0 : index
    %get3A_551 = tpu.vector_load %arg5[%get3A_549, %get3A_550] {strides = array<i32>} : memref<8x64xi32, #tpu.memory_space<vmem>>, vector<1x16xi32>,
    %get3A_552 = vector.shape_cast %get3A_551 : vector<1x16xi32> to vector<16xi32>
    %jit3A_553 = arith.constant 0 : i32
    %jit3A_554 = arith.constant 10 : i32
    %max3A_555 = vector.broadcast %jit3A_553 : i32 to vector<16xi32>
    %max3A_556 = arith.maxsi %max3A_555, %get3A_552 : vector<16xi32>
    %min3A_557 = vector.broadcast %jit3A_554 : i32 to vector<16xi32>
    %min3A_558 = arith.minsi %min3A_557, %max3A_556 : vector<16xi32>
    %eq3A_559 = arith.constant 0 : i32
    %eq3A_560 = vector.broadcast %eq3A_559 : i32 to vector<16xi32>
    %eq3A_561 = arith.cmpi eq, %min3A_558, %eq3A_560 : vector<16xi32>
    %jit3A_562 = arith.constant 11 : i32
    %broadcast_in_dim3A_563 = vector.broadcast %jit3A_562 : i32 to vector<16xi32>
    %select_n3A_564 = arith.select %eq3A_561, %broadcast_in_dim3A_563, %min3A_558 : vector<16xi1>, vector<16xi32>
    %swap3A_565 = arith.constant 6 : i32
    %swap3A_566 = arith.index_cast %swap3A_565 : i32 to index
    %swap3A_567 = arith.constant 0 : index
    %swap3A_568 = tpu.vector_load %arg5[%swap3A_566, %swap3A_567] {strides = array<i32>} : memref<8x64xi32, #tpu.memory_space<vmem>>, vector<1x16xi32>,
    %swap3A_569 = vector.shape_cast %swap3A_568 : vector<1x16xi32> to vector<16xi32>
    %swap3A_570 = vector.shape_cast %select_n3A_564 : vector<16xi32> to vector<1x16xi32>
    tpu.vector_store %arg5[%swap3A_566, %swap3A_567], %swap3A_570 {strides = array<i32>} : memref<8x64xi32, #tpu.memory_space<vmem>>, vector<1x16xi32>,
    %get3A_571 = arith.constant 6 : i32
    %get3A_572 = arith.index_cast %get3A_571 : i32 to index
    %get3A_573 = arith.constant 16 : index
    %get3A_574 = tpu.vector_load %arg5[%get3A_572, %get3A_573] {strides = array<i32>} : memref<8x64xi32, #tpu.memory_space<vmem>>, vector<1x16xi32>,
    %get3A_575 = vector.shape_cast %get3A_574 : vector<1x16xi32> to vector<16xi32>
    %jit3A_576 = arith.constant 0 : i32
    %jit3A_577 = arith.constant 10 : i32
    %max3A_578 = vector.broadcast %jit3A_576 : i32 to vector<16xi32>
    %max3A_579 = arith.maxsi %max3A_578, %get3A_575 : vector<16xi32>
    %min3A_580 = vector.broadcast %jit3A_577 : i32 to vector<16xi32>
    %min3A_581 = arith.minsi %min3A_580, %max3A_579 : vector<16xi32>
    %eq3A_582 = arith.constant 0 : i32
    %eq3A_583 = vector.broadcast %eq3A_582 : i32 to vector<16xi32>
    %eq3A_584 = arith.cmpi eq, %min3A_581, %eq3A_583 : vector<16xi32>
    %jit3A_585 = arith.constant 11 : i32
    %broadcast_in_dim3A_586 = vector.broadcast %jit3A_585 : i32 to vector<16xi32>
    %select_n3A_587 = arith.select %eq3A_584, %broadcast_in_dim3A_586, %min3A_581 : vector<16xi1>, vector<16xi32>
    %swap3A_588 = arith.constant 6 : i32
    %swap3A_589 = arith.index_cast %swap3A_588 : i32 to index
    %swap3A_590 = arith.constant 16 : index
    %swap3A_591 = tpu.vector_load %arg5[%swap3A_589, %swap3A_590] {strides = array<i32>} : memref<8x64xi32, #tpu.memory_space<vmem>>, vector<1x16xi32>,
    %swap3A_592 = vector.shape_cast %swap3A_591 : vector<1x16xi32> to vector<16xi32>
    %swap3A_593 = vector.shape_cast %select_n3A_587 : vector<16xi32> to vector<1x16xi32>
    tpu.vector_store %arg5[%swap3A_589, %swap3A_590], %swap3A_593 {strides = array<i32>} : memref<8x64xi32, #tpu.memory_space<vmem>>, vector<1x16xi32>,
    %get3A_594 = arith.constant 6 : i32
    %get3A_595 = arith.index_cast %get3A_594 : i32 to index
    %get3A_596 = arith.constant 32 : index
    %get3A_597 = tpu.vector_load %arg5[%get3A_595, %get3A_596] {strides = array<i32>} : memref<8x64xi32, #tpu.memory_space<vmem>>, vector<1x16xi32>,
    %get3A_598 = vector.shape_cast %get3A_597 : vector<1x16xi32> to vector<16xi32>
    %jit3A_599 = arith.constant 0 : i32
    %jit3A_600 = arith.constant 10 : i32
    %max3A_601 = vector.broadcast %jit3A_599 : i32 to vector<16xi32>
    %max3A_602 = arith.maxsi %max3A_601, %get3A_598 : vector<16xi32>
    %min3A_603 = vector.broadcast %jit3A_600 : i32 to vector<16xi32>
    %min3A_604 = arith.minsi %min3A_603, %max3A_602 : vector<16xi32>
    %eq3A_605 = arith.constant 0 : i32
    %eq3A_606 = vector.broadcast %eq3A_605 : i32 to vector<16xi32>
    %eq3A_607 = arith.cmpi eq, %min3A_604, %eq3A_606 : vector<16xi32>
    %jit3A_608 = arith.constant 11 : i32
    %broadcast_in_dim3A_609 = vector.broadcast %jit3A_608 : i32 to vector<16xi32>
    %select_n3A_610 = arith.select %eq3A_607, %broadcast_in_dim3A_609, %min3A_604 : vector<16xi1>, vector<16xi32>
    %swap3A_611 = arith.constant 6 : i32
    %swap3A_612 = arith.index_cast %swap3A_611 : i32 to index
    %swap3A_613 = arith.constant 32 : index
    %swap3A_614 = tpu.vector_load %arg5[%swap3A_612, %swap3A_613] {strides = array<i32>} : memref<8x64xi32, #tpu.memory_space<vmem>>, vector<1x16xi32>,
    %swap3A_615 = vector.shape_cast %swap3A_614 : vector<1x16xi32> to vector<16xi32>
    %swap3A_616 = vector.shape_cast %select_n3A_610 : vector<16xi32> to vector<1x16xi32>
    tpu.vector_store %arg5[%swap3A_612, %swap3A_613], %swap3A_616 {strides = array<i32>} : memref<8x64xi32, #tpu.memory_space<vmem>>, vector<1x16xi32>,
    %get3A_617 = arith.constant 6 : i32
    %get3A_618 = arith.index_cast %get3A_617 : i32 to index
    %get3A_619 = arith.constant 48 : index
    %get3A_620 = tpu.vector_load %arg5[%get3A_618, %get3A_619] {strides = array<i32>} : memref<8x64xi32, #tpu.memory_space<vmem>>, vector<1x16xi32>,
    %get3A_621 = vector.shape_cast %get3A_620 : vector<1x16xi32> to vector<16xi32>
    %jit3A_622 = arith.constant 0 : i32
    %jit3A_623 = arith.constant 10 : i32
    %max3A_624 = vector.broadcast %jit3A_622 : i32 to vector<16xi32>
    %max3A_625 = arith.maxsi %max3A_624, %get3A_621 : vector<16xi32>
    %min3A_626 = vector.broadcast %jit3A_623 : i32 to vector<16xi32>
    %min3A_627 = arith.minsi %min3A_626, %max3A_625 : vector<16xi32>
    %eq3A_628 = arith.constant 0 : i32
    %eq3A_629 = vector.broadcast %eq3A_628 : i32 to vector<16xi32>
    %eq3A_630 = arith.cmpi eq, %min3A_627, %eq3A_629 : vector<16xi32>
    %jit3A_631 = arith.constant 11 : i32
    %broadcast_in_dim3A_632 = vector.broadcast %jit3A_631 : i32 to vector<16xi32>
    %select_n3A_633 = arith.select %eq3A_630, %broadcast_in_dim3A_632, %min3A_627 : vector<16xi1>, vector<16xi32>
    %swap3A_634 = arith.constant 6 : i32
    %swap3A_635 = arith.index_cast %swap3A_634 : i32 to index
    %swap3A_636 = arith.constant 48 : index
    %swap3A_637 = tpu.vector_load %arg5[%swap3A_635, %swap3A_636] {strides = array<i32>} : memref<8x64xi32, #tpu.memory_space<vmem>>, vector<1x16xi32>,
    %swap3A_638 = vector.shape_cast %swap3A_637 : vector<1x16xi32> to vector<16xi32>
    %swap3A_639 = vector.shape_cast %select_n3A_633 : vector<16xi32> to vector<1x16xi32>
    tpu.vector_store %arg5[%swap3A_635, %swap3A_636], %swap3A_639 {strides = array<i32>} : memref<8x64xi32, #tpu.memory_space<vmem>>, vector<1x16xi32>,
    %get3A_640 = arith.constant 7 : i32
    %get3A_641 = arith.index_cast %get3A_640 : i32 to index
    %get3A_642 = arith.constant 0 : index
    %get3A_643 = tpu.vector_load %arg5[%get3A_641, %get3A_642] {strides = array<i32>} : memref<8x64xi32, #tpu.memory_space<vmem>>, vector<1x16xi32>,
    %get3A_644 = vector.shape_cast %get3A_643 : vector<1x16xi32> to vector<16xi32>
    %jit3A_645 = arith.constant 0 : i32
    %jit3A_646 = arith.constant 10 : i32
    %max3A_647 = vector.broadcast %jit3A_645 : i32 to vector<16xi32>
    %max3A_648 = arith.maxsi %max3A_647, %get3A_644 : vector<16xi32>
    %min3A_649 = vector.broadcast %jit3A_646 : i32 to vector<16xi32>
    %min3A_650 = arith.minsi %min3A_649, %max3A_648 : vector<16xi32>
    %eq3A_651 = arith.constant 0 : i32
    %eq3A_652 = vector.broadcast %eq3A_651 : i32 to vector<16xi32>
    %eq3A_653 = arith.cmpi eq, %min3A_650, %eq3A_652 : vector<16xi32>
    %jit3A_654 = arith.constant 11 : i32
    %broadcast_in_dim3A_655 = vector.broadcast %jit3A_654 : i32 to vector<16xi32>
    %select_n3A_656 = arith.select %eq3A_653, %broadcast_in_dim3A_655, %min3A_650 : vector<16xi1>, vector<16xi32>
    %swap3A_657 = arith.constant 7 : i32
    %swap3A_658 = arith.index_cast %swap3A_657 : i32 to index
    %swap3A_659 = arith.constant 0 : index
    %swap3A_660 = tpu.vector_load %arg5[%swap3A_658, %swap3A_659] {strides = array<i32>} : memref<8x64xi32, #tpu.memory_space<vmem>>, vector<1x16xi32>,
    %swap3A_661 = vector.shape_cast %swap3A_660 : vector<1x16xi32> to vector<16xi32>
    %swap3A_662 = vector.shape_cast %select_n3A_656 : vector<16xi32> to vector<1x16xi32>
    tpu.vector_store %arg5[%swap3A_658, %swap3A_659], %swap3A_662 {strides = array<i32>} : memref<8x64xi32, #tpu.memory_space<vmem>>, vector<1x16xi32>,
    %get3A_663 = arith.constant 7 : i32
    %get3A_664 = arith.index_cast %get3A_663 : i32 to index
    %get3A_665 = arith.constant 16 : index
    %get3A_666 = tpu.vector_load %arg5[%get3A_664, %get3A_665] {strides = array<i32>} : memref<8x64xi32, #tpu.memory_space<vmem>>, vector<1x16xi32>,
    %get3A_667 = vector.shape_cast %get3A_666 : vector<1x16xi32> to vector<16xi32>
    %jit3A_668 = arith.constant 0 : i32
    %jit3A_669 = arith.constant 10 : i32
    %max3A_670 = vector.broadcast %jit3A_668 : i32 to vector<16xi32>
    %max3A_671 = arith.maxsi %max3A_670, %get3A_667 : vector<16xi32>
    %min3A_672 = vector.broadcast %jit3A_669 : i32 to vector<16xi32>
    %min3A_673 = arith.minsi %min3A_672, %max3A_671 : vector<16xi32>
    %eq3A_674 = arith.constant 0 : i32
    %eq3A_675 = vector.broadcast %eq3A_674 : i32 to vector<16xi32>
    %eq3A_676 = arith.cmpi eq, %min3A_673, %eq3A_675 : vector<16xi32>
    %jit3A_677 = arith.constant 11 : i32
    %broadcast_in_dim3A_678 = vector.broadcast %jit3A_677 : i32 to vector<16xi32>
    %select_n3A_679 = arith.select %eq3A_676, %broadcast_in_dim3A_678, %min3A_673 : vector<16xi1>, vector<16xi32>
    %swap3A_680 = arith.constant 7 : i32
    %swap3A_681 = arith.index_cast %swap3A_680 : i32 to index
    %swap3A_682 = arith.constant 16 : index
    %swap3A_683 = tpu.vector_load %arg5[%swap3A_681, %swap3A_682] {strides = array<i32>} : memref<8x64xi32, #tpu.memory_space<vmem>>, vector<1x16xi32>,
    %swap3A_684 = vector.shape_cast %swap3A_683 : vector<1x16xi32> to vector<16xi32>
    %swap3A_685 = vector.shape_cast %select_n3A_679 : vector<16xi32> to vector<1x16xi32>
    tpu.vector_store %arg5[%swap3A_681, %swap3A_682], %swap3A_685 {strides = array<i32>} : memref<8x64xi32, #tpu.memory_space<vmem>>, vector<1x16xi32>,
    %get3A_686 = arith.constant 7 : i32
    %get3A_687 = arith.index_cast %get3A_686 : i32 to index
    %get3A_688 = arith.constant 32 : index
    %get3A_689 = tpu.vector_load %arg5[%get3A_687, %get3A_688] {strides = array<i32>} : memref<8x64xi32, #tpu.memory_space<vmem>>, vector<1x16xi32>,
    %get3A_690 = vector.shape_cast %get3A_689 : vector<1x16xi32> to vector<16xi32>
    %jit3A_691 = arith.constant 0 : i32
    %jit3A_692 = arith.constant 10 : i32
    %max3A_693 = vector.broadcast %jit3A_691 : i32 to vector<16xi32>
    %max3A_694 = arith.maxsi %max3A_693, %get3A_690 : vector<16xi32>
    %min3A_695 = vector.broadcast %jit3A_692 : i32 to vector<16xi32>
    %min3A_696 = arith.minsi %min3A_695, %max3A_694 : vector<16xi32>
    %eq3A_697 = arith.constant 0 : i32
    %eq3A_698 = vector.broadcast %eq3A_697 : i32 to vector<16xi32>
    %eq3A_699 = arith.cmpi eq, %min3A_696, %eq3A_698 : vector<16xi32>
    %jit3A_700 = arith.constant 11 : i32
    %broadcast_in_dim3A_701 = vector.broadcast %jit3A_700 : i32 to vector<16xi32>
    %select_n3A_702 = arith.select %eq3A_699, %broadcast_in_dim3A_701, %min3A_696 : vector<16xi1>, vector<16xi32>
    %swap3A_703 = arith.constant 7 : i32
    %swap3A_704 = arith.index_cast %swap3A_703 : i32 to index
    %swap3A_705 = arith.constant 32 : index
    %swap3A_706 = tpu.vector_load %arg5[%swap3A_704, %swap3A_705] {strides = array<i32>} : memref<8x64xi32, #tpu.memory_space<vmem>>, vector<1x16xi32>,
    %swap3A_707 = vector.shape_cast %swap3A_706 : vector<1x16xi32> to vector<16xi32>
    %swap3A_708 = vector.shape_cast %select_n3A_702 : vector<16xi32> to vector<1x16xi32>
    tpu.vector_store %arg5[%swap3A_704, %swap3A_705], %swap3A_708 {strides = array<i32>} : memref<8x64xi32, #tpu.memory_space<vmem>>, vector<1x16xi32>,
    %get3A_709 = arith.constant 7 : i32
    %get3A_710 = arith.index_cast %get3A_709 : i32 to index
    %get3A_711 = arith.constant 48 : index
    %get3A_712 = tpu.vector_load %arg5[%get3A_710, %get3A_711] {strides = array<i32>} : memref<8x64xi32, #tpu.memory_space<vmem>>, vector<1x16xi32>,
    %get3A_713 = vector.shape_cast %get3A_712 : vector<1x16xi32> to vector<16xi32>
    %jit3A_714 = arith.constant 0 : i32
    %jit3A_715 = arith.constant 10 : i32
    %max3A_716 = vector.broadcast %jit3A_714 : i32 to vector<16xi32>
    %max3A_717 = arith.maxsi %max3A_716, %get3A_713 : vector<16xi32>
    %min3A_718 = vector.broadcast %jit3A_715 : i32 to vector<16xi32>
    %min3A_719 = arith.minsi %min3A_718, %max3A_717 : vector<16xi32>
    %eq3A_720 = arith.constant 0 : i32
    %eq3A_721 = vector.broadcast %eq3A_720 : i32 to vector<16xi32>
    %eq3A_722 = arith.cmpi eq, %min3A_719, %eq3A_721 : vector<16xi32>
    %jit3A_723 = arith.constant 11 : i32
    %broadcast_in_dim3A_724 = vector.broadcast %jit3A_723 : i32 to vector<16xi32>
    %select_n3A_725 = arith.select %eq3A_722, %broadcast_in_dim3A_724, %min3A_719 : vector<16xi1>, vector<16xi32>
    %swap3A_726 = arith.constant 7 : i32
    %swap3A_727 = arith.index_cast %swap3A_726 : i32 to index
    %swap3A_728 = arith.constant 48 : index
    %swap3A_729 = tpu.vector_load %arg5[%swap3A_727, %swap3A_728] {strides = array<i32>} : memref<8x64xi32, #tpu.memory_space<vmem>>, vector<1x16xi32>,
    %swap3A_730 = vector.shape_cast %swap3A_729 : vector<1x16xi32> to vector<16xi32>
    %swap3A_731 = vector.shape_cast %select_n3A_725 : vector<16xi32> to vector<1x16xi32>
    tpu.vector_store %arg5[%swap3A_727, %swap3A_728], %swap3A_731 {strides = array<i32>} : memref<8x64xi32, #tpu.memory_space<vmem>>, vector<1x16xi32>,
    %barrier3A = arith.constant 0 : index
    tpu.barrier barrier_id(%barrier3A)
    %dma_start3A = arith.constant 0 : i32
    %dma_start3A_732 = arith.constant 0 : i32
    %dma_start3A_733 = arith.constant 0 : i32
    %dma_start3A_734 = arith.constant 0 : i32
    %dma_start3A_735 = tpu.memref_slice %arg6[%dma_start3A_732, %dma_start3A_733, %dma_start3A_734] : memref<512x1x128xf32, #tpu.memory_space<vmem>> -> memref<64x1x128xf32, #tpu.memory_space<vmem>>
    %dma_start3A_736 = arith.constant 0 : i32
    %dma_start3A_737 = tpu.memref_slice %arg5[%dma_start3A, %dma_start3A_736] : memref<8x64xi32, #tpu.memory_space<vmem>> -> memref<1x64xi32, #tpu.memory_space<vmem>>
    %dma_start3A_738 = tpu.memref_squeeze %dma_start3A_737 : memref<1x64xi32, #tpu.memory_space<vmem>> -> memref<64xi32, #tpu.memory_space<vmem>>
    %dma_start3A_739 = arith.constant 0 : i32
    %dma_start3A_740 = arith.constant 0 : i32
    %dma_start3A_741 = arith.constant 0 : i32
    %dma_start3A_742 = tpu.memref_slice %arg8[%dma_start3A_739, %dma_start3A_740, %dma_start3A_741] : memref<12x1x128xf32, #tpu.memory_space<vmem_shared>> -> memref<12x1x128xf32, #tpu.memory_space<vmem_shared>>
    tpu.enqueue_indirect_dma source(%dma_start3A_742 : memref<12x1x128xf32, #tpu.memory_space<vmem_shared>>) target(%dma_start3A_735 : memref<64x1x128xf32, #tpu.memory_space<vmem>>) offsets(%dma_start3A_738 : memref<64xi32, #tpu.memory_space<vmem>>) semaphore(%arg9 : memref<!tpu.dma_semaphore, #tpu.memory_space<semaphore_mem>>)
    %dma_start3A_743 = arith.constant 1 : i32
    %dma_start3A_744 = arith.constant 64 : i32
    %dma_start3A_745 = arith.constant 0 : i32
    %dma_start3A_746 = arith.constant 0 : i32
    %dma_start3A_747 = tpu.memref_slice %arg6[%dma_start3A_744, %dma_start3A_745, %dma_start3A_746] : memref<512x1x128xf32, #tpu.memory_space<vmem>> -> memref<64x1x128xf32, #tpu.memory_space<vmem>>
    %dma_start3A_748 = arith.constant 0 : i32
    %dma_start3A_749 = tpu.memref_slice %arg5[%dma_start3A_743, %dma_start3A_748] : memref<8x64xi32, #tpu.memory_space<vmem>> -> memref<1x64xi32, #tpu.memory_space<vmem>>
    %dma_start3A_750 = tpu.memref_squeeze %dma_start3A_749 : memref<1x64xi32, #tpu.memory_space<vmem>> -> memref<64xi32, #tpu.memory_space<vmem>>
    %dma_start3A_751 = arith.constant 0 : i32
    %dma_start3A_752 = arith.constant 0 : i32
    %dma_start3A_753 = arith.constant 0 : i32
    %dma_start3A_754 = tpu.memref_slice %arg8[%dma_start3A_751, %dma_start3A_752, %dma_start3A_753] : memref<12x1x128xf32, #tpu.memory_space<vmem_shared>> -> memref<12x1x128xf32, #tpu.memory_space<vmem_shared>>
    tpu.enqueue_indirect_dma source(%dma_start3A_754 : memref<12x1x128xf32, #tpu.memory_space<vmem_shared>>) target(%dma_start3A_747 : memref<64x1x128xf32, #tpu.memory_space<vmem>>) offsets(%dma_start3A_750 : memref<64xi32, #tpu.memory_space<vmem>>) semaphore(%arg10 : memref<!tpu.dma_semaphore, #tpu.memory_space<semaphore_mem>>)
    %dma_start3A_755 = arith.constant 2 : i32
    %dma_start3A_756 = arith.constant 128 : i32
    %dma_start3A_757 = arith.constant 0 : i32
    %dma_start3A_758 = arith.constant 0 : i32
    %dma_start3A_759 = tpu.memref_slice %arg6[%dma_start3A_756, %dma_start3A_757, %dma_start3A_758] : memref<512x1x128xf32, #tpu.memory_space<vmem>> -> memref<64x1x128xf32, #tpu.memory_space<vmem>>
    %dma_start3A_760 = arith.constant 0 : i32
    %dma_start3A_761 = tpu.memref_slice %arg5[%dma_start3A_755, %dma_start3A_760] : memref<8x64xi32, #tpu.memory_space<vmem>> -> memref<1x64xi32, #tpu.memory_space<vmem>>
    %dma_start3A_762 = tpu.memref_squeeze %dma_start3A_761 : memref<1x64xi32, #tpu.memory_space<vmem>> -> memref<64xi32, #tpu.memory_space<vmem>>
    %dma_start3A_763 = arith.constant 0 : i32
    %dma_start3A_764 = arith.constant 0 : i32
    %dma_start3A_765 = arith.constant 0 : i32
    %dma_start3A_766 = tpu.memref_slice %arg8[%dma_start3A_763, %dma_start3A_764, %dma_start3A_765] : memref<12x1x128xf32, #tpu.memory_space<vmem_shared>> -> memref<12x1x128xf32, #tpu.memory_space<vmem_shared>>
    tpu.enqueue_indirect_dma source(%dma_start3A_766 : memref<12x1x128xf32, #tpu.memory_space<vmem_shared>>) target(%dma_start3A_759 : memref<64x1x128xf32, #tpu.memory_space<vmem>>) offsets(%dma_start3A_762 : memref<64xi32, #tpu.memory_space<vmem>>) semaphore(%arg11 : memref<!tpu.dma_semaphore, #tpu.memory_space<semaphore_mem>>)
    %dma_start3A_767 = arith.constant 3 : i32
    %dma_start3A_768 = arith.constant 192 : i32
    %dma_start3A_769 = arith.constant 0 : i32
    %dma_start3A_770 = arith.constant 0 : i32
    %dma_start3A_771 = tpu.memref_slice %arg6[%dma_start3A_768, %dma_start3A_769, %dma_start3A_770] : memref<512x1x128xf32, #tpu.memory_space<vmem>> -> memref<64x1x128xf32, #tpu.memory_space<vmem>>
    %dma_start3A_772 = arith.constant 0 : i32
    %dma_start3A_773 = tpu.memref_slice %arg5[%dma_start3A_767, %dma_start3A_772] : memref<8x64xi32, #tpu.memory_space<vmem>> -> memref<1x64xi32, #tpu.memory_space<vmem>>
    %dma_start3A_774 = tpu.memref_squeeze %dma_start3A_773 : memref<1x64xi32, #tpu.memory_space<vmem>> -> memref<64xi32, #tpu.memory_space<vmem>>
    %dma_start3A_775 = arith.constant 0 : i32
    %dma_start3A_776 = arith.constant 0 : i32
    %dma_start3A_777 = arith.constant 0 : i32
    %dma_start3A_778 = tpu.memref_slice %arg8[%dma_start3A_775, %dma_start3A_776, %dma_start3A_777] : memref<12x1x128xf32, #tpu.memory_space<vmem_shared>> -> memref<12x1x128xf32, #tpu.memory_space<vmem_shared>>
    tpu.enqueue_indirect_dma source(%dma_start3A_778 : memref<12x1x128xf32, #tpu.memory_space<vmem_shared>>) target(%dma_start3A_771 : memref<64x1x128xf32, #tpu.memory_space<vmem>>) offsets(%dma_start3A_774 : memref<64xi32, #tpu.memory_space<vmem>>) semaphore(%arg12 : memref<!tpu.dma_semaphore, #tpu.memory_space<semaphore_mem>>)
    %dma_start3A_779 = arith.constant 4 : i32
    %dma_start3A_780 = arith.constant 256 : i32
    %dma_start3A_781 = arith.constant 0 : i32
    %dma_start3A_782 = arith.constant 0 : i32
    %dma_start3A_783 = tpu.memref_slice %arg6[%dma_start3A_780, %dma_start3A_781, %dma_start3A_782] : memref<512x1x128xf32, #tpu.memory_space<vmem>> -> memref<64x1x128xf32, #tpu.memory_space<vmem>>
    %dma_start3A_784 = arith.constant 0 : i32
    %dma_start3A_785 = tpu.memref_slice %arg5[%dma_start3A_779, %dma_start3A_784] : memref<8x64xi32, #tpu.memory_space<vmem>> -> memref<1x64xi32, #tpu.memory_space<vmem>>
    %dma_start3A_786 = tpu.memref_squeeze %dma_start3A_785 : memref<1x64xi32, #tpu.memory_space<vmem>> -> memref<64xi32, #tpu.memory_space<vmem>>
    %dma_start3A_787 = arith.constant 0 : i32
    %dma_start3A_788 = arith.constant 0 : i32
    %dma_start3A_789 = arith.constant 0 : i32
    %dma_start3A_790 = tpu.memref_slice %arg8[%dma_start3A_787, %dma_start3A_788, %dma_start3A_789] : memref<12x1x128xf32, #tpu.memory_space<vmem_shared>> -> memref<12x1x128xf32, #tpu.memory_space<vmem_shared>>
    tpu.enqueue_indirect_dma source(%dma_start3A_790 : memref<12x1x128xf32, #tpu.memory_space<vmem_shared>>) target(%dma_start3A_783 : memref<64x1x128xf32, #tpu.memory_space<vmem>>) offsets(%dma_start3A_786 : memref<64xi32, #tpu.memory_space<vmem>>) semaphore(%arg13 : memref<!tpu.dma_semaphore, #tpu.memory_space<semaphore_mem>>)
    %dma_start3A_791 = arith.constant 5 : i32
    %dma_start3A_792 = arith.constant 320 : i32
    %dma_start3A_793 = arith.constant 0 : i32
    %dma_start3A_794 = arith.constant 0 : i32
    %dma_start3A_795 = tpu.memref_slice %arg6[%dma_start3A_792, %dma_start3A_793, %dma_start3A_794] : memref<512x1x128xf32, #tpu.memory_space<vmem>> -> memref<64x1x128xf32, #tpu.memory_space<vmem>>
    %dma_start3A_796 = arith.constant 0 : i32
    %dma_start3A_797 = tpu.memref_slice %arg5[%dma_start3A_791, %dma_start3A_796] : memref<8x64xi32, #tpu.memory_space<vmem>> -> memref<1x64xi32, #tpu.memory_space<vmem>>
    %dma_start3A_798 = tpu.memref_squeeze %dma_start3A_797 : memref<1x64xi32, #tpu.memory_space<vmem>> -> memref<64xi32, #tpu.memory_space<vmem>>
    %dma_start3A_799 = arith.constant 0 : i32
    %dma_start3A_800 = arith.constant 0 : i32
    %dma_start3A_801 = arith.constant 0 : i32
    %dma_start3A_802 = tpu.memref_slice %arg8[%dma_start3A_799, %dma_start3A_800, %dma_start3A_801] : memref<12x1x128xf32, #tpu.memory_space<vmem_shared>> -> memref<12x1x128xf32, #tpu.memory_space<vmem_shared>>
    tpu.enqueue_indirect_dma source(%dma_start3A_802 : memref<12x1x128xf32, #tpu.memory_space<vmem_shared>>) target(%dma_start3A_795 : memref<64x1x128xf32, #tpu.memory_space<vmem>>) offsets(%dma_start3A_798 : memref<64xi32, #tpu.memory_space<vmem>>) semaphore(%arg14 : memref<!tpu.dma_semaphore, #tpu.memory_space<semaphore_mem>>)
    %dma_start3A_803 = arith.constant 6 : i32
    %dma_start3A_804 = arith.constant 384 : i32
    %dma_start3A_805 = arith.constant 0 : i32
    %dma_start3A_806 = arith.constant 0 : i32
    %dma_start3A_807 = tpu.memref_slice %arg6[%dma_start3A_804, %dma_start3A_805, %dma_start3A_806] : memref<512x1x128xf32, #tpu.memory_space<vmem>> -> memref<64x1x128xf32, #tpu.memory_space<vmem>>
    %dma_start3A_808 = arith.constant 0 : i32
    %dma_start3A_809 = tpu.memref_slice %arg5[%dma_start3A_803, %dma_start3A_808] : memref<8x64xi32, #tpu.memory_space<vmem>> -> memref<1x64xi32, #tpu.memory_space<vmem>>
    %dma_start3A_810 = tpu.memref_squeeze %dma_start3A_809 : memref<1x64xi32, #tpu.memory_space<vmem>> -> memref<64xi32, #tpu.memory_space<vmem>>
    %dma_start3A_811 = arith.constant 0 : i32
    %dma_start3A_812 = arith.constant 0 : i32
    %dma_start3A_813 = arith.constant 0 : i32
    %dma_start3A_814 = tpu.memref_slice %arg8[%dma_start3A_811, %dma_start3A_812, %dma_start3A_813] : memref<12x1x128xf32, #tpu.memory_space<vmem_shared>> -> memref<12x1x128xf32, #tpu.memory_space<vmem_shared>>
    tpu.enqueue_indirect_dma source(%dma_start3A_814 : memref<12x1x128xf32, #tpu.memory_space<vmem_shared>>) target(%dma_start3A_807 : memref<64x1x128xf32, #tpu.memory_space<vmem>>) offsets(%dma_start3A_810 : memref<64xi32, #tpu.memory_space<vmem>>) semaphore(%arg15 : memref<!tpu.dma_semaphore, #tpu.memory_space<semaphore_mem>>)
    %dma_start3A_815 = arith.constant 7 : i32
    %dma_start3A_816 = arith.constant 448 : i32
    %dma_start3A_817 = arith.constant 0 : i32
    %dma_start3A_818 = arith.constant 0 : i32
    %dma_start3A_819 = tpu.memref_slice %arg6[%dma_start3A_816, %dma_start3A_817, %dma_start3A_818] : memref<512x1x128xf32, #tpu.memory_space<vmem>> -> memref<64x1x128xf32, #tpu.memory_space<vmem>>
    %dma_start3A_820 = arith.constant 0 : i32
    %dma_start3A_821 = tpu.memref_slice %arg5[%dma_start3A_815, %dma_start3A_820] : memref<8x64xi32, #tpu.memory_space<vmem>> -> memref<1x64xi32, #tpu.memory_space<vmem>>
    %dma_start3A_822 = tpu.memref_squeeze %dma_start3A_821 : memref<1x64xi32, #tpu.memory_space<vmem>> -> memref<64xi32, #tpu.memory_space<vmem>>
    %dma_start3A_823 = arith.constant 0 : i32
    %dma_start3A_824 = arith.constant 0 : i32
    %dma_start3A_825 = arith.constant 0 : i32
    %dma_start3A_826 = tpu.memref_slice %arg8[%dma_start3A_823, %dma_start3A_824, %dma_start3A_825] : memref<12x1x128xf32, #tpu.memory_space<vmem_shared>> -> memref<12x1x128xf32, #tpu.memory_space<vmem_shared>>
    tpu.enqueue_indirect_dma source(%dma_start3A_826 : memref<12x1x128xf32, #tpu.memory_space<vmem_shared>>) target(%dma_start3A_819 : memref<64x1x128xf32, #tpu.memory_space<vmem>>) offsets(%dma_start3A_822 : memref<64xi32, #tpu.memory_space<vmem>>) semaphore(%arg16 : memref<!tpu.dma_semaphore, #tpu.memory_space<semaphore_mem>>)
    %dma_wait3A = arith.constant 0 : i32
    %dma_wait3A_827 = arith.constant 0 : i32
    %dma_wait3A_828 = arith.constant 0 : i32
    %dma_wait3A_829 = arith.constant 0 : i32
    %dma_wait3A_830 = tpu.memref_slice %arg6[%dma_wait3A_827, %dma_wait3A_828, %dma_wait3A_829] : memref<512x1x128xf32, #tpu.memory_space<vmem>> -> memref<64x1x128xf32, #tpu.memory_space<vmem>>
    %dma_wait3A_831 = arith.constant 0 : i32
    %dma_wait3A_832 = tpu.memref_slice %arg5[%dma_wait3A, %dma_wait3A_831] : memref<8x64xi32, #tpu.memory_space<vmem>> -> memref<1x64xi32, #tpu.memory_space<vmem>>
    %dma_wait3A_833 = tpu.memref_squeeze %dma_wait3A_832 : memref<1x64xi32, #tpu.memory_space<vmem>> -> memref<64xi32, #tpu.memory_space<vmem>>
    %dma_wait3A_834 = arith.constant 0 : i32
    %dma_wait3A_835 = arith.constant 0 : i32
    %dma_wait3A_836 = arith.constant 0 : i32
    %dma_wait3A_837 = tpu.memref_slice %arg8[%dma_wait3A_834, %dma_wait3A_835, %dma_wait3A_836] : memref<12x1x128xf32, #tpu.memory_space<vmem_shared>> -> memref<12x1x128xf32, #tpu.memory_space<vmem_shared>>
    tpu.wait_indirect_dma semaphore(%arg9 : memref<!tpu.dma_semaphore, #tpu.memory_space<semaphore_mem>>) src(%dma_wait3A_837 : memref<12x1x128xf32, #tpu.memory_space<vmem_shared>>) dst(%dma_wait3A_830 : memref<64x1x128xf32, #tpu.memory_space<vmem>>)
    %mul3A_838 = arith.constant 512 : i32
    %mul3A_839 = arith.muli %add3A, %mul3A_838 : i32
    %add3A_840 = arith.constant 0 : i32
    %add3A_841 = arith.addi %mul3A_839, %add3A_840 : i32
    %dma_start3A_842 = arith.constant 0 : i32
    %dma_start3A_843 = arith.constant 0 : i32
    %dma_start3A_844 = arith.constant 0 : i32
    %dma_start3A_845 = tpu.memref_slice %arg6[%dma_start3A_842, %dma_start3A_843, %dma_start3A_844] : memref<512x1x128xf32, #tpu.memory_space<vmem>> -> memref<64x1x128xf32, #tpu.memory_space<vmem>>
    %dma_start3A_846 = arith.constant 0 : i32
    %dma_start3A_847 = arith.constant 0 : i32
    %dma_start3A_848 = tpu.memref_slice %arg4[%add3A_841, %dma_start3A_846, %dma_start3A_847] : memref<16384x1x128xf32, #tpu.memory_space<hbm>> -> memref<64x1x128xf32, #tpu.memory_space<hbm>>
    %dma_start3A_849 = arith.constant 0 : i32
    %dma_start3A_850 = arith.constant 0 : i32
    %dma_start3A_851 = tpu.memref_slice %arg4[%add3A_841, %dma_start3A_849, %dma_start3A_850] : memref<16384x1x128xf32, #tpu.memory_space<hbm>> -> memref<64x1x128xf32, #tpu.memory_space<hbm>>
    %dma_start3A_852 = arith.constant 0 : i32
    %dma_start3A_853 = arith.constant 0 : i32
    %dma_start3A_854 = arith.constant 0 : i32
    %dma_start3A_855 = tpu.memref_slice %arg6[%dma_start3A_852, %dma_start3A_853, %dma_start3A_854] : memref<512x1x128xf32, #tpu.memory_space<vmem>> -> memref<64x1x128xf32, #tpu.memory_space<vmem>>
    tpu.enqueue_dma source(%dma_start3A_855 : memref<64x1x128xf32, #tpu.memory_space<vmem>>) target(%dma_start3A_851 : memref<64x1x128xf32, #tpu.memory_space<hbm>>) target_semaphore(%arg17 : memref<!tpu.dma_semaphore, #tpu.memory_space<semaphore_mem>>)
    %dma_wait3A_856 = arith.constant 1 : i32
    %dma_wait3A_857 = arith.constant 64 : i32
    %dma_wait3A_858 = arith.constant 0 : i32
    %dma_wait3A_859 = arith.constant 0 : i32
    %dma_wait3A_860 = tpu.memref_slice %arg6[%dma_wait3A_857, %dma_wait3A_858, %dma_wait3A_859] : memref<512x1x128xf32, #tpu.memory_space<vmem>> -> memref<64x1x128xf32, #tpu.memory_space<vmem>>
    %dma_wait3A_861 = arith.constant 0 : i32
    %dma_wait3A_862 = tpu.memref_slice %arg5[%dma_wait3A_856, %dma_wait3A_861] : memref<8x64xi32, #tpu.memory_space<vmem>> -> memref<1x64xi32, #tpu.memory_space<vmem>>
    %dma_wait3A_863 = tpu.memref_squeeze %dma_wait3A_862 : memref<1x64xi32, #tpu.memory_space<vmem>> -> memref<64xi32, #tpu.memory_space<vmem>>
    %dma_wait3A_864 = arith.constant 0 : i32
    %dma_wait3A_865 = arith.constant 0 : i32
    %dma_wait3A_866 = arith.constant 0 : i32
    %dma_wait3A_867 = tpu.memref_slice %arg8[%dma_wait3A_864, %dma_wait3A_865, %dma_wait3A_866] : memref<12x1x128xf32, #tpu.memory_space<vmem_shared>> -> memref<12x1x128xf32, #tpu.memory_space<vmem_shared>>
    tpu.wait_indirect_dma semaphore(%arg10 : memref<!tpu.dma_semaphore, #tpu.memory_space<semaphore_mem>>) src(%dma_wait3A_867 : memref<12x1x128xf32, #tpu.memory_space<vmem_shared>>) dst(%dma_wait3A_860 : memref<64x1x128xf32, #tpu.memory_space<vmem>>)
    %mul3A_868 = arith.constant 512 : i32
    %mul3A_869 = arith.muli %add3A, %mul3A_868 : i32
    %add3A_870 = arith.constant 64 : i32
    %add3A_871 = arith.addi %mul3A_869, %add3A_870 : i32
    %dma_start3A_872 = arith.constant 64 : i32
    %dma_start3A_873 = arith.constant 0 : i32
    %dma_start3A_874 = arith.constant 0 : i32
    %dma_start3A_875 = tpu.memref_slice %arg6[%dma_start3A_872, %dma_start3A_873, %dma_start3A_874] : memref<512x1x128xf32, #tpu.memory_space<vmem>> -> memref<64x1x128xf32, #tpu.memory_space<vmem>>
    %dma_start3A_876 = arith.constant 0 : i32
    %dma_start3A_877 = arith.constant 0 : i32
    %dma_start3A_878 = tpu.memref_slice %arg4[%add3A_871, %dma_start3A_876, %dma_start3A_877] : memref<16384x1x128xf32, #tpu.memory_space<hbm>> -> memref<64x1x128xf32, #tpu.memory_space<hbm>>
    %dma_start3A_879 = arith.constant 0 : i32
    %dma_start3A_880 = arith.constant 0 : i32
    %dma_start3A_881 = tpu.memref_slice %arg4[%add3A_871, %dma_start3A_879, %dma_start3A_880] : memref<16384x1x128xf32, #tpu.memory_space<hbm>> -> memref<64x1x128xf32, #tpu.memory_space<hbm>>
    %dma_start3A_882 = arith.constant 64 : i32
    %dma_start3A_883 = arith.constant 0 : i32
    %dma_start3A_884 = arith.constant 0 : i32
    %dma_start3A_885 = tpu.memref_slice %arg6[%dma_start3A_882, %dma_start3A_883, %dma_start3A_884] : memref<512x1x128xf32, #tpu.memory_space<vmem>> -> memref<64x1x128xf32, #tpu.memory_space<vmem>>
    tpu.enqueue_dma source(%dma_start3A_885 : memref<64x1x128xf32, #tpu.memory_space<vmem>>) target(%dma_start3A_881 : memref<64x1x128xf32, #tpu.memory_space<hbm>>) target_semaphore(%arg17 : memref<!tpu.dma_semaphore, #tpu.memory_space<semaphore_mem>>)
    %dma_wait3A_886 = arith.constant 2 : i32
    %dma_wait3A_887 = arith.constant 128 : i32
    %dma_wait3A_888 = arith.constant 0 : i32
    %dma_wait3A_889 = arith.constant 0 : i32
    %dma_wait3A_890 = tpu.memref_slice %arg6[%dma_wait3A_887, %dma_wait3A_888, %dma_wait3A_889] : memref<512x1x128xf32, #tpu.memory_space<vmem>> -> memref<64x1x128xf32, #tpu.memory_space<vmem>>
    %dma_wait3A_891 = arith.constant 0 : i32
    %dma_wait3A_892 = tpu.memref_slice %arg5[%dma_wait3A_886, %dma_wait3A_891] : memref<8x64xi32, #tpu.memory_space<vmem>> -> memref<1x64xi32, #tpu.memory_space<vmem>>
    %dma_wait3A_893 = tpu.memref_squeeze %dma_wait3A_892 : memref<1x64xi32, #tpu.memory_space<vmem>> -> memref<64xi32, #tpu.memory_space<vmem>>
    %dma_wait3A_894 = arith.constant 0 : i32
    %dma_wait3A_895 = arith.constant 0 : i32
    %dma_wait3A_896 = arith.constant 0 : i32
    %dma_wait3A_897 = tpu.memref_slice %arg8[%dma_wait3A_894, %dma_wait3A_895, %dma_wait3A_896] : memref<12x1x128xf32, #tpu.memory_space<vmem_shared>> -> memref<12x1x128xf32, #tpu.memory_space<vmem_shared>>
    tpu.wait_indirect_dma semaphore(%arg11 : memref<!tpu.dma_semaphore, #tpu.memory_space<semaphore_mem>>) src(%dma_wait3A_897 : memref<12x1x128xf32, #tpu.memory_space<vmem_shared>>) dst(%dma_wait3A_890 : memref<64x1x128xf32, #tpu.memory_space<vmem>>)
    %mul3A_898 = arith.constant 512 : i32
    %mul3A_899 = arith.muli %add3A, %mul3A_898 : i32
    %add3A_900 = arith.constant 128 : i32
    %add3A_901 = arith.addi %mul3A_899, %add3A_900 : i32
    %dma_start3A_902 = arith.constant 128 : i32
    %dma_start3A_903 = arith.constant 0 : i32
    %dma_start3A_904 = arith.constant 0 : i32
    %dma_start3A_905 = tpu.memref_slice %arg6[%dma_start3A_902, %dma_start3A_903, %dma_start3A_904] : memref<512x1x128xf32, #tpu.memory_space<vmem>> -> memref<64x1x128xf32, #tpu.memory_space<vmem>>
    %dma_start3A_906 = arith.constant 0 : i32
    %dma_start3A_907 = arith.constant 0 : i32
    %dma_start3A_908 = tpu.memref_slice %arg4[%add3A_901, %dma_start3A_906, %dma_start3A_907] : memref<16384x1x128xf32, #tpu.memory_space<hbm>> -> memref<64x1x128xf32, #tpu.memory_space<hbm>>
    %dma_start3A_909 = arith.constant 0 : i32
    %dma_start3A_910 = arith.constant 0 : i32
    %dma_start3A_911 = tpu.memref_slice %arg4[%add3A_901, %dma_start3A_909, %dma_start3A_910] : memref<16384x1x128xf32, #tpu.memory_space<hbm>> -> memref<64x1x128xf32, #tpu.memory_space<hbm>>
    %dma_start3A_912 = arith.constant 128 : i32
    %dma_start3A_913 = arith.constant 0 : i32
    %dma_start3A_914 = arith.constant 0 : i32
    %dma_start3A_915 = tpu.memref_slice %arg6[%dma_start3A_912, %dma_start3A_913, %dma_start3A_914] : memref<512x1x128xf32, #tpu.memory_space<vmem>> -> memref<64x1x128xf32, #tpu.memory_space<vmem>>
    tpu.enqueue_dma source(%dma_start3A_915 : memref<64x1x128xf32, #tpu.memory_space<vmem>>) target(%dma_start3A_911 : memref<64x1x128xf32, #tpu.memory_space<hbm>>) target_semaphore(%arg17 : memref<!tpu.dma_semaphore, #tpu.memory_space<semaphore_mem>>)
    %dma_wait3A_916 = arith.constant 3 : i32
    %dma_wait3A_917 = arith.constant 192 : i32
    %dma_wait3A_918 = arith.constant 0 : i32
    %dma_wait3A_919 = arith.constant 0 : i32
    %dma_wait3A_920 = tpu.memref_slice %arg6[%dma_wait3A_917, %dma_wait3A_918, %dma_wait3A_919] : memref<512x1x128xf32, #tpu.memory_space<vmem>> -> memref<64x1x128xf32, #tpu.memory_space<vmem>>
    %dma_wait3A_921 = arith.constant 0 : i32
    %dma_wait3A_922 = tpu.memref_slice %arg5[%dma_wait3A_916, %dma_wait3A_921] : memref<8x64xi32, #tpu.memory_space<vmem>> -> memref<1x64xi32, #tpu.memory_space<vmem>>
    %dma_wait3A_923 = tpu.memref_squeeze %dma_wait3A_922 : memref<1x64xi32, #tpu.memory_space<vmem>> -> memref<64xi32, #tpu.memory_space<vmem>>
    %dma_wait3A_924 = arith.constant 0 : i32
    %dma_wait3A_925 = arith.constant 0 : i32
    %dma_wait3A_926 = arith.constant 0 : i32
    %dma_wait3A_927 = tpu.memref_slice %arg8[%dma_wait3A_924, %dma_wait3A_925, %dma_wait3A_926] : memref<12x1x128xf32, #tpu.memory_space<vmem_shared>> -> memref<12x1x128xf32, #tpu.memory_space<vmem_shared>>
    tpu.wait_indirect_dma semaphore(%arg12 : memref<!tpu.dma_semaphore, #tpu.memory_space<semaphore_mem>>) src(%dma_wait3A_927 : memref<12x1x128xf32, #tpu.memory_space<vmem_shared>>) dst(%dma_wait3A_920 : memref<64x1x128xf32, #tpu.memory_space<vmem>>)
    %mul3A_928 = arith.constant 512 : i32
    %mul3A_929 = arith.muli %add3A, %mul3A_928 : i32
    %add3A_930 = arith.constant 192 : i32
    %add3A_931 = arith.addi %mul3A_929, %add3A_930 : i32
    %dma_start3A_932 = arith.constant 192 : i32
    %dma_start3A_933 = arith.constant 0 : i32
    %dma_start3A_934 = arith.constant 0 : i32
    %dma_start3A_935 = tpu.memref_slice %arg6[%dma_start3A_932, %dma_start3A_933, %dma_start3A_934] : memref<512x1x128xf32, #tpu.memory_space<vmem>> -> memref<64x1x128xf32, #tpu.memory_space<vmem>>
    %dma_start3A_936 = arith.constant 0 : i32
    %dma_start3A_937 = arith.constant 0 : i32
    %dma_start3A_938 = tpu.memref_slice %arg4[%add3A_931, %dma_start3A_936, %dma_start3A_937] : memref<16384x1x128xf32, #tpu.memory_space<hbm>> -> memref<64x1x128xf32, #tpu.memory_space<hbm>>
    %dma_start3A_939 = arith.constant 0 : i32
    %dma_start3A_940 = arith.constant 0 : i32
    %dma_start3A_941 = tpu.memref_slice %arg4[%add3A_931, %dma_start3A_939, %dma_start3A_940] : memref<16384x1x128xf32, #tpu.memory_space<hbm>> -> memref<64x1x128xf32, #tpu.memory_space<hbm>>
    %dma_start3A_942 = arith.constant 192 : i32
    %dma_start3A_943 = arith.constant 0 : i32
    %dma_start3A_944 = arith.constant 0 : i32
    %dma_start3A_945 = tpu.memref_slice %arg6[%dma_start3A_942, %dma_start3A_943, %dma_start3A_944] : memref<512x1x128xf32, #tpu.memory_space<vmem>> -> memref<64x1x128xf32, #tpu.memory_space<vmem>>
    tpu.enqueue_dma source(%dma_start3A_945 : memref<64x1x128xf32, #tpu.memory_space<vmem>>) target(%dma_start3A_941 : memref<64x1x128xf32, #tpu.memory_space<hbm>>) target_semaphore(%arg17 : memref<!tpu.dma_semaphore, #tpu.memory_space<semaphore_mem>>)
    %dma_wait3A_946 = arith.constant 4 : i32
    %dma_wait3A_947 = arith.constant 256 : i32
    %dma_wait3A_948 = arith.constant 0 : i32
    %dma_wait3A_949 = arith.constant 0 : i32
    %dma_wait3A_950 = tpu.memref_slice %arg6[%dma_wait3A_947, %dma_wait3A_948, %dma_wait3A_949] : memref<512x1x128xf32, #tpu.memory_space<vmem>> -> memref<64x1x128xf32, #tpu.memory_space<vmem>>
    %dma_wait3A_951 = arith.constant 0 : i32
    %dma_wait3A_952 = tpu.memref_slice %arg5[%dma_wait3A_946, %dma_wait3A_951] : memref<8x64xi32, #tpu.memory_space<vmem>> -> memref<1x64xi32, #tpu.memory_space<vmem>>
    %dma_wait3A_953 = tpu.memref_squeeze %dma_wait3A_952 : memref<1x64xi32, #tpu.memory_space<vmem>> -> memref<64xi32, #tpu.memory_space<vmem>>
    %dma_wait3A_954 = arith.constant 0 : i32
    %dma_wait3A_955 = arith.constant 0 : i32
    %dma_wait3A_956 = arith.constant 0 : i32
    %dma_wait3A_957 = tpu.memref_slice %arg8[%dma_wait3A_954, %dma_wait3A_955, %dma_wait3A_956] : memref<12x1x128xf32, #tpu.memory_space<vmem_shared>> -> memref<12x1x128xf32, #tpu.memory_space<vmem_shared>>
    tpu.wait_indirect_dma semaphore(%arg13 : memref<!tpu.dma_semaphore, #tpu.memory_space<semaphore_mem>>) src(%dma_wait3A_957 : memref<12x1x128xf32, #tpu.memory_space<vmem_shared>>) dst(%dma_wait3A_950 : memref<64x1x128xf32, #tpu.memory_space<vmem>>)
    %mul3A_958 = arith.constant 512 : i32
    %mul3A_959 = arith.muli %add3A, %mul3A_958 : i32
    %add3A_960 = arith.constant 256 : i32
    %add3A_961 = arith.addi %mul3A_959, %add3A_960 : i32
    %dma_start3A_962 = arith.constant 256 : i32
    %dma_start3A_963 = arith.constant 0 : i32
    %dma_start3A_964 = arith.constant 0 : i32
    %dma_start3A_965 = tpu.memref_slice %arg6[%dma_start3A_962, %dma_start3A_963, %dma_start3A_964] : memref<512x1x128xf32, #tpu.memory_space<vmem>> -> memref<64x1x128xf32, #tpu.memory_space<vmem>>
    %dma_start3A_966 = arith.constant 0 : i32
    %dma_start3A_967 = arith.constant 0 : i32
    %dma_start3A_968 = tpu.memref_slice %arg4[%add3A_961, %dma_start3A_966, %dma_start3A_967] : memref<16384x1x128xf32, #tpu.memory_space<hbm>> -> memref<64x1x128xf32, #tpu.memory_space<hbm>>
    %dma_start3A_969 = arith.constant 0 : i32
    %dma_start3A_970 = arith.constant 0 : i32
    %dma_start3A_971 = tpu.memref_slice %arg4[%add3A_961, %dma_start3A_969, %dma_start3A_970] : memref<16384x1x128xf32, #tpu.memory_space<hbm>> -> memref<64x1x128xf32, #tpu.memory_space<hbm>>
    %dma_start3A_972 = arith.constant 256 : i32
    %dma_start3A_973 = arith.constant 0 : i32
    %dma_start3A_974 = arith.constant 0 : i32
    %dma_start3A_975 = tpu.memref_slice %arg6[%dma_start3A_972, %dma_start3A_973, %dma_start3A_974] : memref<512x1x128xf32, #tpu.memory_space<vmem>> -> memref<64x1x128xf32, #tpu.memory_space<vmem>>
    tpu.enqueue_dma source(%dma_start3A_975 : memref<64x1x128xf32, #tpu.memory_space<vmem>>) target(%dma_start3A_971 : memref<64x1x128xf32, #tpu.memory_space<hbm>>) target_semaphore(%arg17 : memref<!tpu.dma_semaphore, #tpu.memory_space<semaphore_mem>>)
    %dma_wait3A_976 = arith.constant 5 : i32
    %dma_wait3A_977 = arith.constant 320 : i32
    %dma_wait3A_978 = arith.constant 0 : i32
    %dma_wait3A_979 = arith.constant 0 : i32
    %dma_wait3A_980 = tpu.memref_slice %arg6[%dma_wait3A_977, %dma_wait3A_978, %dma_wait3A_979] : memref<512x1x128xf32, #tpu.memory_space<vmem>> -> memref<64x1x128xf32, #tpu.memory_space<vmem>>
    %dma_wait3A_981 = arith.constant 0 : i32
    %dma_wait3A_982 = tpu.memref_slice %arg5[%dma_wait3A_976, %dma_wait3A_981] : memref<8x64xi32, #tpu.memory_space<vmem>> -> memref<1x64xi32, #tpu.memory_space<vmem>>
    %dma_wait3A_983 = tpu.memref_squeeze %dma_wait3A_982 : memref<1x64xi32, #tpu.memory_space<vmem>> -> memref<64xi32, #tpu.memory_space<vmem>>
    %dma_wait3A_984 = arith.constant 0 : i32
    %dma_wait3A_985 = arith.constant 0 : i32
    %dma_wait3A_986 = arith.constant 0 : i32
    %dma_wait3A_987 = tpu.memref_slice %arg8[%dma_wait3A_984, %dma_wait3A_985, %dma_wait3A_986] : memref<12x1x128xf32, #tpu.memory_space<vmem_shared>> -> memref<12x1x128xf32, #tpu.memory_space<vmem_shared>>
    tpu.wait_indirect_dma semaphore(%arg14 : memref<!tpu.dma_semaphore, #tpu.memory_space<semaphore_mem>>) src(%dma_wait3A_987 : memref<12x1x128xf32, #tpu.memory_space<vmem_shared>>) dst(%dma_wait3A_980 : memref<64x1x128xf32, #tpu.memory_space<vmem>>)
    %mul3A_988 = arith.constant 512 : i32
    %mul3A_989 = arith.muli %add3A, %mul3A_988 : i32
    %add3A_990 = arith.constant 320 : i32
    %add3A_991 = arith.addi %mul3A_989, %add3A_990 : i32
    %dma_start3A_992 = arith.constant 320 : i32
    %dma_start3A_993 = arith.constant 0 : i32
    %dma_start3A_994 = arith.constant 0 : i32
    %dma_start3A_995 = tpu.memref_slice %arg6[%dma_start3A_992, %dma_start3A_993, %dma_start3A_994] : memref<512x1x128xf32, #tpu.memory_space<vmem>> -> memref<64x1x128xf32, #tpu.memory_space<vmem>>
    %dma_start3A_996 = arith.constant 0 : i32
    %dma_start3A_997 = arith.constant 0 : i32
    %dma_start3A_998 = tpu.memref_slice %arg4[%add3A_991, %dma_start3A_996, %dma_start3A_997] : memref<16384x1x128xf32, #tpu.memory_space<hbm>> -> memref<64x1x128xf32, #tpu.memory_space<hbm>>
    %dma_start3A_999 = arith.constant 0 : i32
    %dma_start3A_1000 = arith.constant 0 : i32
    %dma_start3A_1001 = tpu.memref_slice %arg4[%add3A_991, %dma_start3A_999, %dma_start3A_1000] : memref<16384x1x128xf32, #tpu.memory_space<hbm>> -> memref<64x1x128xf32, #tpu.memory_space<hbm>>
    %dma_start3A_1002 = arith.constant 320 : i32
    %dma_start3A_1003 = arith.constant 0 : i32
    %dma_start3A_1004 = arith.constant 0 : i32
    %dma_start3A_1005 = tpu.memref_slice %arg6[%dma_start3A_1002, %dma_start3A_1003, %dma_start3A_1004] : memref<512x1x128xf32, #tpu.memory_space<vmem>> -> memref<64x1x128xf32, #tpu.memory_space<vmem>>
    tpu.enqueue_dma source(%dma_start3A_1005 : memref<64x1x128xf32, #tpu.memory_space<vmem>>) target(%dma_start3A_1001 : memref<64x1x128xf32, #tpu.memory_space<hbm>>) target_semaphore(%arg17 : memref<!tpu.dma_semaphore, #tpu.memory_space<semaphore_mem>>)
    %dma_wait3A_1006 = arith.constant 6 : i32
    %dma_wait3A_1007 = arith.constant 384 : i32
    %dma_wait3A_1008 = arith.constant 0 : i32
    %dma_wait3A_1009 = arith.constant 0 : i32
    %dma_wait3A_1010 = tpu.memref_slice %arg6[%dma_wait3A_1007, %dma_wait3A_1008, %dma_wait3A_1009] : memref<512x1x128xf32, #tpu.memory_space<vmem>> -> memref<64x1x128xf32, #tpu.memory_space<vmem>>
    %dma_wait3A_1011 = arith.constant 0 : i32
    %dma_wait3A_1012 = tpu.memref_slice %arg5[%dma_wait3A_1006, %dma_wait3A_1011] : memref<8x64xi32, #tpu.memory_space<vmem>> -> memref<1x64xi32, #tpu.memory_space<vmem>>
    %dma_wait3A_1013 = tpu.memref_squeeze %dma_wait3A_1012 : memref<1x64xi32, #tpu.memory_space<vmem>> -> memref<64xi32, #tpu.memory_space<vmem>>
    %dma_wait3A_1014 = arith.constant 0 : i32
    %dma_wait3A_1015 = arith.constant 0 : i32
    %dma_wait3A_1016 = arith.constant 0 : i32
    %dma_wait3A_1017 = tpu.memref_slice %arg8[%dma_wait3A_1014, %dma_wait3A_1015, %dma_wait3A_1016] : memref<12x1x128xf32, #tpu.memory_space<vmem_shared>> -> memref<12x1x128xf32, #tpu.memory_space<vmem_shared>>
    tpu.wait_indirect_dma semaphore(%arg15 : memref<!tpu.dma_semaphore, #tpu.memory_space<semaphore_mem>>) src(%dma_wait3A_1017 : memref<12x1x128xf32, #tpu.memory_space<vmem_shared>>) dst(%dma_wait3A_1010 : memref<64x1x128xf32, #tpu.memory_space<vmem>>)
    %mul3A_1018 = arith.constant 512 : i32
    %mul3A_1019 = arith.muli %add3A, %mul3A_1018 : i32
    %add3A_1020 = arith.constant 384 : i32
    %add3A_1021 = arith.addi %mul3A_1019, %add3A_1020 : i32
    %dma_start3A_1022 = arith.constant 384 : i32
    %dma_start3A_1023 = arith.constant 0 : i32
    %dma_start3A_1024 = arith.constant 0 : i32
    %dma_start3A_1025 = tpu.memref_slice %arg6[%dma_start3A_1022, %dma_start3A_1023, %dma_start3A_1024] : memref<512x1x128xf32, #tpu.memory_space<vmem>> -> memref<64x1x128xf32, #tpu.memory_space<vmem>>
    %dma_start3A_1026 = arith.constant 0 : i32
    %dma_start3A_1027 = arith.constant 0 : i32
    %dma_start3A_1028 = tpu.memref_slice %arg4[%add3A_1021, %dma_start3A_1026, %dma_start3A_1027] : memref<16384x1x128xf32, #tpu.memory_space<hbm>> -> memref<64x1x128xf32, #tpu.memory_space<hbm>>
    %dma_start3A_1029 = arith.constant 0 : i32
    %dma_start3A_1030 = arith.constant 0 : i32
    %dma_start3A_1031 = tpu.memref_slice %arg4[%add3A_1021, %dma_start3A_1029, %dma_start3A_1030] : memref<16384x1x128xf32, #tpu.memory_space<hbm>> -> memref<64x1x128xf32, #tpu.memory_space<hbm>>
    %dma_start3A_1032 = arith.constant 384 : i32
    %dma_start3A_1033 = arith.constant 0 : i32
    %dma_start3A_1034 = arith.constant 0 : i32
    %dma_start3A_1035 = tpu.memref_slice %arg6[%dma_start3A_1032, %dma_start3A_1033, %dma_start3A_1034] : memref<512x1x128xf32, #tpu.memory_space<vmem>> -> memref<64x1x128xf32, #tpu.memory_space<vmem>>
    tpu.enqueue_dma source(%dma_start3A_1035 : memref<64x1x128xf32, #tpu.memory_space<vmem>>) target(%dma_start3A_1031 : memref<64x1x128xf32, #tpu.memory_space<hbm>>) target_semaphore(%arg17 : memref<!tpu.dma_semaphore, #tpu.memory_space<semaphore_mem>>)
    %dma_wait3A_1036 = arith.constant 7 : i32
    %dma_wait3A_1037 = arith.constant 448 : i32
    %dma_wait3A_1038 = arith.constant 0 : i32
    %dma_wait3A_1039 = arith.constant 0 : i32
    %dma_wait3A_1040 = tpu.memref_slice %arg6[%dma_wait3A_1037, %dma_wait3A_1038, %dma_wait3A_1039] : memref<512x1x128xf32, #tpu.memory_space<vmem>> -> memref<64x1x128xf32, #tpu.memory_space<vmem>>
    %dma_wait3A_1041 = arith.constant 0 : i32
    %dma_wait3A_1042 = tpu.memref_slice %arg5[%dma_wait3A_1036, %dma_wait3A_1041] : memref<8x64xi32, #tpu.memory_space<vmem>> -> memref<1x64xi32, #tpu.memory_space<vmem>>
    %dma_wait3A_1043 = tpu.memref_squeeze %dma_wait3A_1042 : memref<1x64xi32, #tpu.memory_space<vmem>> -> memref<64xi32, #tpu.memory_space<vmem>>
    %dma_wait3A_1044 = arith.constant 0 : i32
    %dma_wait3A_1045 = arith.constant 0 : i32
    %dma_wait3A_1046 = arith.constant 0 : i32
    %dma_wait3A_1047 = tpu.memref_slice %arg8[%dma_wait3A_1044, %dma_wait3A_1045, %dma_wait3A_1046] : memref<12x1x128xf32, #tpu.memory_space<vmem_shared>> -> memref<12x1x128xf32, #tpu.memory_space<vmem_shared>>
    tpu.wait_indirect_dma semaphore(%arg16 : memref<!tpu.dma_semaphore, #tpu.memory_space<semaphore_mem>>) src(%dma_wait3A_1047 : memref<12x1x128xf32, #tpu.memory_space<vmem_shared>>) dst(%dma_wait3A_1040 : memref<64x1x128xf32, #tpu.memory_space<vmem>>)
    %mul3A_1048 = arith.constant 512 : i32
    %mul3A_1049 = arith.muli %add3A, %mul3A_1048 : i32
    %add3A_1050 = arith.constant 448 : i32
    %add3A_1051 = arith.addi %mul3A_1049, %add3A_1050 : i32
    %dma_start3A_1052 = arith.constant 448 : i32
    %dma_start3A_1053 = arith.constant 0 : i32
    %dma_start3A_1054 = arith.constant 0 : i32
    %dma_start3A_1055 = tpu.memref_slice %arg6[%dma_start3A_1052, %dma_start3A_1053, %dma_start3A_1054] : memref<512x1x128xf32, #tpu.memory_space<vmem>> -> memref<64x1x128xf32, #tpu.memory_space<vmem>>
    %dma_start3A_1056 = arith.constant 0 : i32
    %dma_start3A_1057 = arith.constant 0 : i32
    %dma_start3A_1058 = tpu.memref_slice %arg4[%add3A_1051, %dma_start3A_1056, %dma_start3A_1057] : memref<16384x1x128xf32, #tpu.memory_space<hbm>> -> memref<64x1x128xf32, #tpu.memory_space<hbm>>
    %dma_start3A_1059 = arith.constant 0 : i32
    %dma_start3A_1060 = arith.constant 0 : i32
    %dma_start3A_1061 = tpu.memref_slice %arg4[%add3A_1051, %dma_start3A_1059, %dma_start3A_1060] : memref<16384x1x128xf32, #tpu.memory_space<hbm>> -> memref<64x1x128xf32, #tpu.memory_space<hbm>>
    %dma_start3A_1062 = arith.constant 448 : i32
    %dma_start3A_1063 = arith.constant 0 : i32
    %dma_start3A_1064 = arith.constant 0 : i32
    %dma_start3A_1065 = tpu.memref_slice %arg6[%dma_start3A_1062, %dma_start3A_1063, %dma_start3A_1064] : memref<512x1x128xf32, #tpu.memory_space<vmem>> -> memref<64x1x128xf32, #tpu.memory_space<vmem>>
    tpu.enqueue_dma source(%dma_start3A_1065 : memref<64x1x128xf32, #tpu.memory_space<vmem>>) target(%dma_start3A_1061 : memref<64x1x128xf32, #tpu.memory_space<hbm>>) target_semaphore(%arg17 : memref<!tpu.dma_semaphore, #tpu.memory_space<semaphore_mem>>)
    %dma_wait3A_1066 = arith.constant 0 : i32
    %dma_wait3A_1067 = arith.constant 0 : i32
    %dma_wait3A_1068 = arith.constant 0 : i32
    %dma_wait3A_1069 = tpu.memref_slice %arg6[%dma_wait3A_1066, %dma_wait3A_1067, %dma_wait3A_1068] : memref<512x1x128xf32, #tpu.memory_space<vmem>> -> memref<64x1x128xf32, #tpu.memory_space<vmem>>
    %dma_wait3A_1070 = arith.constant 0 : i32
    %dma_wait3A_1071 = arith.constant 0 : i32
    %dma_wait3A_1072 = tpu.memref_slice %arg4[%add3A_841, %dma_wait3A_1070, %dma_wait3A_1071] : memref<16384x1x128xf32, #tpu.memory_space<hbm>> -> memref<64x1x128xf32, #tpu.memory_space<hbm>>
    %dma_wait3A_1073 = arith.constant 0 : i32
    %dma_wait3A_1074 = arith.constant 0 : i32
    %dma_wait3A_1075 = tpu.memref_slice %arg4[%add3A_841, %dma_wait3A_1073, %dma_wait3A_1074] : memref<16384x1x128xf32, #tpu.memory_space<hbm>> -> memref<64x1x128xf32, #tpu.memory_space<hbm>>
    %dma_wait3A_1076 = arith.constant 0 : i32
    %dma_wait3A_1077 = arith.constant 0 : i32
    %dma_wait3A_1078 = arith.constant 0 : i32
    %dma_wait3A_1079 = tpu.memref_slice %arg6[%dma_wait3A_1076, %dma_wait3A_1077, %dma_wait3A_1078] : memref<512x1x128xf32, #tpu.memory_space<vmem>> -> memref<64x1x128xf32, #tpu.memory_space<vmem>>
    tpu.wait_dma2 semaphore(%arg17 : memref<!tpu.dma_semaphore, #tpu.memory_space<semaphore_mem>>) src(%dma_wait3A_1079 : memref<64x1x128xf32, #tpu.memory_space<vmem>>) dst(%dma_wait3A_1075 : memref<64x1x128xf32, #tpu.memory_space<hbm>>)
    %dma_wait3A_1080 = arith.constant 64 : i32
    %dma_wait3A_1081 = arith.constant 0 : i32
    %dma_wait3A_1082 = arith.constant 0 : i32
    %dma_wait3A_1083 = tpu.memref_slice %arg6[%dma_wait3A_1080, %dma_wait3A_1081, %dma_wait3A_1082] : memref<512x1x128xf32, #tpu.memory_space<vmem>> -> memref<64x1x128xf32, #tpu.memory_space<vmem>>
    %dma_wait3A_1084 = arith.constant 0 : i32
    %dma_wait3A_1085 = arith.constant 0 : i32
    %dma_wait3A_1086 = tpu.memref_slice %arg4[%add3A_871, %dma_wait3A_1084, %dma_wait3A_1085] : memref<16384x1x128xf32, #tpu.memory_space<hbm>> -> memref<64x1x128xf32, #tpu.memory_space<hbm>>
    %dma_wait3A_1087 = arith.constant 0 : i32
    %dma_wait3A_1088 = arith.constant 0 : i32
    %dma_wait3A_1089 = tpu.memref_slice %arg4[%add3A_871, %dma_wait3A_1087, %dma_wait3A_1088] : memref<16384x1x128xf32, #tpu.memory_space<hbm>> -> memref<64x1x128xf32, #tpu.memory_space<hbm>>
    %dma_wait3A_1090 = arith.constant 64 : i32
    %dma_wait3A_1091 = arith.constant 0 : i32
    %dma_wait3A_1092 = arith.constant 0 : i32
    %dma_wait3A_1093 = tpu.memref_slice %arg6[%dma_wait3A_1090, %dma_wait3A_1091, %dma_wait3A_1092] : memref<512x1x128xf32, #tpu.memory_space<vmem>> -> memref<64x1x128xf32, #tpu.memory_space<vmem>>
    tpu.wait_dma2 semaphore(%arg17 : memref<!tpu.dma_semaphore, #tpu.memory_space<semaphore_mem>>) src(%dma_wait3A_1093 : memref<64x1x128xf32, #tpu.memory_space<vmem>>) dst(%dma_wait3A_1089 : memref<64x1x128xf32, #tpu.memory_space<hbm>>)
    %dma_wait3A_1094 = arith.constant 128 : i32
    %dma_wait3A_1095 = arith.constant 0 : i32
    %dma_wait3A_1096 = arith.constant 0 : i32
    %dma_wait3A_1097 = tpu.memref_slice %arg6[%dma_wait3A_1094, %dma_wait3A_1095, %dma_wait3A_1096] : memref<512x1x128xf32, #tpu.memory_space<vmem>> -> memref<64x1x128xf32, #tpu.memory_space<vmem>>
    %dma_wait3A_1098 = arith.constant 0 : i32
    %dma_wait3A_1099 = arith.constant 0 : i32
    %dma_wait3A_1100 = tpu.memref_slice %arg4[%add3A_901, %dma_wait3A_1098, %dma_wait3A_1099] : memref<16384x1x128xf32, #tpu.memory_space<hbm>> -> memref<64x1x128xf32, #tpu.memory_space<hbm>>
    %dma_wait3A_1101 = arith.constant 0 : i32
    %dma_wait3A_1102 = arith.constant 0 : i32
    %dma_wait3A_1103 = tpu.memref_slice %arg4[%add3A_901, %dma_wait3A_1101, %dma_wait3A_1102] : memref<16384x1x128xf32, #tpu.memory_space<hbm>> -> memref<64x1x128xf32, #tpu.memory_space<hbm>>
    %dma_wait3A_1104 = arith.constant 128 : i32
    %dma_wait3A_1105 = arith.constant 0 : i32
    %dma_wait3A_1106 = arith.constant 0 : i32
    %dma_wait3A_1107 = tpu.memref_slice %arg6[%dma_wait3A_1104, %dma_wait3A_1105, %dma_wait3A_1106] : memref<512x1x128xf32, #tpu.memory_space<vmem>> -> memref<64x1x128xf32, #tpu.memory_space<vmem>>
    tpu.wait_dma2 semaphore(%arg17 : memref<!tpu.dma_semaphore, #tpu.memory_space<semaphore_mem>>) src(%dma_wait3A_1107 : memref<64x1x128xf32, #tpu.memory_space<vmem>>) dst(%dma_wait3A_1103 : memref<64x1x128xf32, #tpu.memory_space<hbm>>)
    %dma_wait3A_1108 = arith.constant 192 : i32
    %dma_wait3A_1109 = arith.constant 0 : i32
    %dma_wait3A_1110 = arith.constant 0 : i32
    %dma_wait3A_1111 = tpu.memref_slice %arg6[%dma_wait3A_1108, %dma_wait3A_1109, %dma_wait3A_1110] : memref<512x1x128xf32, #tpu.memory_space<vmem>> -> memref<64x1x128xf32, #tpu.memory_space<vmem>>
    %dma_wait3A_1112 = arith.constant 0 : i32
    %dma_wait3A_1113 = arith.constant 0 : i32
    %dma_wait3A_1114 = tpu.memref_slice %arg4[%add3A_931, %dma_wait3A_1112, %dma_wait3A_1113] : memref<16384x1x128xf32, #tpu.memory_space<hbm>> -> memref<64x1x128xf32, #tpu.memory_space<hbm>>
    %dma_wait3A_1115 = arith.constant 0 : i32
    %dma_wait3A_1116 = arith.constant 0 : i32
    %dma_wait3A_1117 = tpu.memref_slice %arg4[%add3A_931, %dma_wait3A_1115, %dma_wait3A_1116] : memref<16384x1x128xf32, #tpu.memory_space<hbm>> -> memref<64x1x128xf32, #tpu.memory_space<hbm>>
    %dma_wait3A_1118 = arith.constant 192 : i32
    %dma_wait3A_1119 = arith.constant 0 : i32
    %dma_wait3A_1120 = arith.constant 0 : i32
    %dma_wait3A_1121 = tpu.memref_slice %arg6[%dma_wait3A_1118, %dma_wait3A_1119, %dma_wait3A_1120] : memref<512x1x128xf32, #tpu.memory_space<vmem>> -> memref<64x1x128xf32, #tpu.memory_space<vmem>>
    tpu.wait_dma2 semaphore(%arg17 : memref<!tpu.dma_semaphore, #tpu.memory_space<semaphore_mem>>) src(%dma_wait3A_1121 : memref<64x1x128xf32, #tpu.memory_space<vmem>>) dst(%dma_wait3A_1117 : memref<64x1x128xf32, #tpu.memory_space<hbm>>)
    %dma_wait3A_1122 = arith.constant 256 : i32
    %dma_wait3A_1123 = arith.constant 0 : i32
    %dma_wait3A_1124 = arith.constant 0 : i32
    %dma_wait3A_1125 = tpu.memref_slice %arg6[%dma_wait3A_1122, %dma_wait3A_1123, %dma_wait3A_1124] : memref<512x1x128xf32, #tpu.memory_space<vmem>> -> memref<64x1x128xf32, #tpu.memory_space<vmem>>
    %dma_wait3A_1126 = arith.constant 0 : i32
    %dma_wait3A_1127 = arith.constant 0 : i32
    %dma_wait3A_1128 = tpu.memref_slice %arg4[%add3A_961, %dma_wait3A_1126, %dma_wait3A_1127] : memref<16384x1x128xf32, #tpu.memory_space<hbm>> -> memref<64x1x128xf32, #tpu.memory_space<hbm>>
    %dma_wait3A_1129 = arith.constant 0 : i32
    %dma_wait3A_1130 = arith.constant 0 : i32
    %dma_wait3A_1131 = tpu.memref_slice %arg4[%add3A_961, %dma_wait3A_1129, %dma_wait3A_1130] : memref<16384x1x128xf32, #tpu.memory_space<hbm>> -> memref<64x1x128xf32, #tpu.memory_space<hbm>>
    %dma_wait3A_1132 = arith.constant 256 : i32
    %dma_wait3A_1133 = arith.constant 0 : i32
    %dma_wait3A_1134 = arith.constant 0 : i32
    %dma_wait3A_1135 = tpu.memref_slice %arg6[%dma_wait3A_1132, %dma_wait3A_1133, %dma_wait3A_1134] : memref<512x1x128xf32, #tpu.memory_space<vmem>> -> memref<64x1x128xf32, #tpu.memory_space<vmem>>
    tpu.wait_dma2 semaphore(%arg17 : memref<!tpu.dma_semaphore, #tpu.memory_space<semaphore_mem>>) src(%dma_wait3A_1135 : memref<64x1x128xf32, #tpu.memory_space<vmem>>) dst(%dma_wait3A_1131 : memref<64x1x128xf32, #tpu.memory_space<hbm>>)
    %dma_wait3A_1136 = arith.constant 320 : i32
    %dma_wait3A_1137 = arith.constant 0 : i32
    %dma_wait3A_1138 = arith.constant 0 : i32
    %dma_wait3A_1139 = tpu.memref_slice %arg6[%dma_wait3A_1136, %dma_wait3A_1137, %dma_wait3A_1138] : memref<512x1x128xf32, #tpu.memory_space<vmem>> -> memref<64x1x128xf32, #tpu.memory_space<vmem>>
    %dma_wait3A_1140 = arith.constant 0 : i32
    %dma_wait3A_1141 = arith.constant 0 : i32
    %dma_wait3A_1142 = tpu.memref_slice %arg4[%add3A_991, %dma_wait3A_1140, %dma_wait3A_1141] : memref<16384x1x128xf32, #tpu.memory_space<hbm>> -> memref<64x1x128xf32, #tpu.memory_space<hbm>>
    %dma_wait3A_1143 = arith.constant 0 : i32
    %dma_wait3A_1144 = arith.constant 0 : i32
    %dma_wait3A_1145 = tpu.memref_slice %arg4[%add3A_991, %dma_wait3A_1143, %dma_wait3A_1144] : memref<16384x1x128xf32, #tpu.memory_space<hbm>> -> memref<64x1x128xf32, #tpu.memory_space<hbm>>
    %dma_wait3A_1146 = arith.constant 320 : i32
    %dma_wait3A_1147 = arith.constant 0 : i32
    %dma_wait3A_1148 = arith.constant 0 : i32
    %dma_wait3A_1149 = tpu.memref_slice %arg6[%dma_wait3A_1146, %dma_wait3A_1147, %dma_wait3A_1148] : memref<512x1x128xf32, #tpu.memory_space<vmem>> -> memref<64x1x128xf32, #tpu.memory_space<vmem>>
    tpu.wait_dma2 semaphore(%arg17 : memref<!tpu.dma_semaphore, #tpu.memory_space<semaphore_mem>>) src(%dma_wait3A_1149 : memref<64x1x128xf32, #tpu.memory_space<vmem>>) dst(%dma_wait3A_1145 : memref<64x1x128xf32, #tpu.memory_space<hbm>>)
    %dma_wait3A_1150 = arith.constant 384 : i32
    %dma_wait3A_1151 = arith.constant 0 : i32
    %dma_wait3A_1152 = arith.constant 0 : i32
    %dma_wait3A_1153 = tpu.memref_slice %arg6[%dma_wait3A_1150, %dma_wait3A_1151, %dma_wait3A_1152] : memref<512x1x128xf32, #tpu.memory_space<vmem>> -> memref<64x1x128xf32, #tpu.memory_space<vmem>>
    %dma_wait3A_1154 = arith.constant 0 : i32
    %dma_wait3A_1155 = arith.constant 0 : i32
    %dma_wait3A_1156 = tpu.memref_slice %arg4[%add3A_1021, %dma_wait3A_1154, %dma_wait3A_1155] : memref<16384x1x128xf32, #tpu.memory_space<hbm>> -> memref<64x1x128xf32, #tpu.memory_space<hbm>>
    %dma_wait3A_1157 = arith.constant 0 : i32
    %dma_wait3A_1158 = arith.constant 0 : i32
    %dma_wait3A_1159 = tpu.memref_slice %arg4[%add3A_1021, %dma_wait3A_1157, %dma_wait3A_1158] : memref<16384x1x128xf32, #tpu.memory_space<hbm>> -> memref<64x1x128xf32, #tpu.memory_space<hbm>>
    %dma_wait3A_1160 = arith.constant 384 : i32
    %dma_wait3A_1161 = arith.constant 0 : i32
    %dma_wait3A_1162 = arith.constant 0 : i32
    %dma_wait3A_1163 = tpu.memref_slice %arg6[%dma_wait3A_1160, %dma_wait3A_1161, %dma_wait3A_1162] : memref<512x1x128xf32, #tpu.memory_space<vmem>> -> memref<64x1x128xf32, #tpu.memory_space<vmem>>
    tpu.wait_dma2 semaphore(%arg17 : memref<!tpu.dma_semaphore, #tpu.memory_space<semaphore_mem>>) src(%dma_wait3A_1163 : memref<64x1x128xf32, #tpu.memory_space<vmem>>) dst(%dma_wait3A_1159 : memref<64x1x128xf32, #tpu.memory_space<hbm>>)
    %dma_wait3A_1164 = arith.constant 448 : i32
    %dma_wait3A_1165 = arith.constant 0 : i32
    %dma_wait3A_1166 = arith.constant 0 : i32
    %dma_wait3A_1167 = tpu.memref_slice %arg6[%dma_wait3A_1164, %dma_wait3A_1165, %dma_wait3A_1166] : memref<512x1x128xf32, #tpu.memory_space<vmem>> -> memref<64x1x128xf32, #tpu.memory_space<vmem>>
    %dma_wait3A_1168 = arith.constant 0 : i32
    %dma_wait3A_1169 = arith.constant 0 : i32
    %dma_wait3A_1170 = tpu.memref_slice %arg4[%add3A_1051, %dma_wait3A_1168, %dma_wait3A_1169] : memref<16384x1x128xf32, #tpu.memory_space<hbm>> -> memref<64x1x128xf32, #tpu.memory_space<hbm>>
    %dma_wait3A_1171 = arith.constant 0 : i32
    %dma_wait3A_1172 = arith.constant 0 : i32
    %dma_wait3A_1173 = tpu.memref_slice %arg4[%add3A_1051, %dma_wait3A_1171, %dma_wait3A_1172] : memref<16384x1x128xf32, #tpu.memory_space<hbm>> -> memref<64x1x128xf32, #tpu.memory_space<hbm>>
    %dma_wait3A_1174 = arith.constant 448 : i32
    %dma_wait3A_1175 = arith.constant 0 : i32
    %dma_wait3A_1176 = arith.constant 0 : i32
    %dma_wait3A_1177 = tpu.memref_slice %arg6[%dma_wait3A_1174, %dma_wait3A_1175, %dma_wait3A_1176] : memref<512x1x128xf32, #tpu.memory_space<vmem>> -> memref<64x1x128xf32, #tpu.memory_space<vmem>>
    tpu.wait_dma2 semaphore(%arg17 : memref<!tpu.dma_semaphore, #tpu.memory_space<semaphore_mem>>) src(%dma_wait3A_1177 : memref<64x1x128xf32, #tpu.memory_space<vmem>>) dst(%dma_wait3A_1173 : memref<64x1x128xf32, #tpu.memory_space<hbm>>)
    return
  }
}

</mosaic_0001>

<sc_bundles>
// kernel: _sc_gather.3.cloned.1.call-start
scs
__scs_entry_jumppad:
0x0: {  	(pc) =	sbr.rel $0x88, $3  }
0x1: {  	(tag) =	ssettag $0x0;
	lr =	simm.s32 $0x1  }
0x2: {  	[smem:$0x3F9F] =	sst lr;
	_ =	strace $0xD0000000  }
0x3: {  	_ = 	snop  }
0x4: {  	_ = 	snop  }
0x5: {  	_ = 	snop  }
0x6: {  	_ = 	snop  }
0x7: {  	_ = 	snop  }
__scs_overlays_trampoline_lowered:
0x8: {  	[smem:$0x3FAE] =	sst s0  }
0x9: {  	[smem:$0x3FAF] =	sst s1  }
0xa: {  	[smem:$0x3FB0] =	sst s2  }
0xb: {  	[smem:$0x3FB1] =	sst s3  }
0xc: {  	[smem:$0x3FB2] =	sst s4  }
0xd: {  	[smem:$0x3FB3] =	sst s5  }
0xe: {  	[smem:$0x3FB4] =	sst s6  }
0xf: {  	[smem:$0x3FB5] =	sst s7  }
0x10: {  	[smem:$0x3FB6] =	sst s8  }
0x11: {  	[smem:$0x3FB7] =	sst s9;
	s0 =	simm.s32 @!p0 $0x0  }
0x12: {  	s1 =	sld [smem:$0x3F9D];
	s0 =	simm.s32 @p0 $0x1  }
0x13: {  	[smem:$0x3FB8] =	sst s0;
	s0 =	simm.s32 @!p1 $0x0  }
0x14: {  	s2 =	sld [smem:$0x3F9C];
	s0 =	simm.s32 @p1 $0x1  }
0x15: {  	[smem:$0x3FB9] =	sst s0;
	s0 =	simm.s32 @!p2 $0x0  }
0x16: {  	s3 =	sld [smem:$0x3FDB];
	s0 =	simm.s32 @p2 $0x1  }
0x17: {  	s4 =	simm.s32 $0x1BF5;
	[smem:$0x3FBB] =	sst s0  }
0x18: {  	s0 =	sld [smem:$0x3F9E];
	_ =	swait.ge [sflag:s4], $0x0  }
0x19: {  	s7 =	sld [smem:$0x3F9F]  }
0x1a: {  	s8 =	sadd.s32 $0xFFFFE003, lr  }
0x1b: {  	s9 =	sadd.s32 $0xFFFFFEF7, lr;
	s5 =	simm.s32 $0xFFFFFFFF;
	p2 =	slt.u32 s8, $0xFFFFF086  }
0x1c: {  	p1 =	slt.u32 s9, $0xF7A;
	s5 =	simm.s32 @!p2 $0x0  }
0x1d: {  	s5 =	simm.s32 @p1 $0x1;
	p0 =	seq.s32 s7, s2  }
0x1e: {  	s7 =	smul.u32 @!p0 $0xF7A, s2;
	p2 =	seq.s32 @!p0 s5, $0x0  }
0x1f: {  	s9 =	smul.u32 $0xF7A, s1;
	s8 =	simm.s32 @!p0 $0x1BF5;
	p2 =	por !p2, p0  }
0x20: {  	[sflag:s8] =	ssyncset.s32 @!p0 $0xFFFFF086;
	s6 =	sadd.s32 @!p0 s3, s7;
	s7 =	simm.s32 @!p0 $0x108  }
0x21: {  	s3 =	sadd.s32 s3, s9;
	s6 =	sadd.s32 @!p0 $0x88, s6;
	s7 =	simm.s32 @p2 $0x1082  }
0x22: {  	[simem:s7], [sflag:s8] =	dma.local @!p0 [hbm:s6], $0xF7A  }
0x23: {  	s9 =	sor.u32 $0xD0000000, s2;
	s6 =	simm.s32 $0x108;
	_ =	swait.ge @!p0 [sflag:s8], $0x0  }
0x24: {  	s3 =	sadd.s32 $0x88, s3;
	s6 =	simm.s32 @!p1 $0x1082;
	[sflag:s4] =	ssyncset.s32 $0xFFFFF086  }
0x25: {  	[simem:s6], [sflag:s4] =	dma.local [hbm:s3], $0xF7A  }
0x26: {  	[smem:$0x3F9F] =	sst s1;
	(tag) =	ssettag s2;
	_ =	strace s9  }
0x27: {  	s1 =	sld [smem:$0x3FAF]  }
0x28: {  	s2 =	sld [smem:$0x3FB0]  }
0x29: {  	s4 =	sld [smem:$0x3FB2]  }
0x2a: {  	p0 =	seq.s32 s5, $0x0;
	s5 =	sld [smem:$0x3FB3]  }
0x2b: {  	s6 =	sld [smem:$0x3FB4]  }
0x2c: {  	s7 =	sld [smem:$0x3FB5]  }
0x2d: {  	s3 =	simm.s32 $0x108;
	s8 =	sld [smem:$0x3FB6]  }
0x2e: {  	s3 =	simm.s32 @!p0 $0x1082;
	s9 =	sld [smem:$0x3FB7]  }
0x2f: {  	lr =	sadd.s32 s0, s3;
	s0 =	sld [smem:$0x3FAE]  }
0x30: {  	s3 =	sld [smem:$0x3FB1]  }
0x31: {  	[smem:$0x3FBA] =	sst s10  }
0x32: {  	s10 =	sld [smem:$0x3FB8];
	_ =	sdelay $0x3  }
0x33: {  	p0 =	seq.s32 s10, $0x1;
	s10 =	sld [smem:$0x3FBA];
	_ =	sdelay $0x3  }
0x34: {  	[smem:$0x3FBA] =	sst s10  }
0x35: {  	s10 =	sld [smem:$0x3FB9];
	_ =	sdelay $0x3  }
0x36: {  	p1 =	seq.s32 s10, $0x1;
	s10 =	sld [smem:$0x3FBA];
	_ =	sdelay $0x3  }
0x37: {  	[smem:$0x3FBA] =	sst s10  }
0x38: {  	s10 =	sld [smem:$0x3FBB]  }
0x39: {  	_ = 	snop;
	(pc) =	sbr.ind lr, $3  }
0x3a: {  	_ = 	snop  }
0x3b: {  	_ = 	snop  }
0x3c: {  	p2 =	seq.s32 s10, $0x1;
	s10 =	sld [smem:$0x3FBA]  }
0x3d: {  	_ =	shalt  }
0x3e: {  	_ =	shalt  }
0x3f: {  	_ =	shalt  }
0x40: {  	_ =	shalt  }
0x41: {  	_ =	shalt  }
0x42: {  	_ =	shalt  }
0x43: {  	_ =	shalt  }
0x44: {  	_ =	shalt  }
0x45: {  	_ =	shalt  }
0x46: {  	_ =	shalt  }
0x47: {  	_ =	shalt  }
0x48: {  	_ =	shalt  }
0x49: {  	_ =	shalt  }
0x4a: {  	_ =	shalt  }
0x4b: {  	_ =	shalt  }
0x4c: {  	_ =	shalt  }
0x4d: {  	_ =	shalt  }
0x4e: {  	_ =	shalt  }
0x4f: {  	_ =	shalt  }
0x50: {  	_ =	shalt  }
0x51: {  	_ =	shalt  }
0x52: {  	_ =	shalt  }
0x53: {  	_ =	shalt  }
0x54: {  	_ =	shalt  }
0x55: {  	_ =	shalt  }
0x56: {  	_ =	shalt  }
0x57: {  	_ =	shalt  }
0x58: {  	_ =	shalt  }
0x59: {  	_ =	shalt  }
0x5a: {  	_ =	shalt  }
0x5b: {  	_ =	shalt  }
0x5c: {  	_ =	shalt  }
0x5d: {  	_ =	shalt  }
0x5e: {  	_ =	shalt  }
0x5f: {  	_ =	shalt  }
0x60: {  	_ =	shalt  }
0x61: {  	_ =	shalt  }
0x62: {  	_ =	shalt  }
0x63: {  	_ =	shalt  }
0x64: {  	_ =	shalt  }
0x65: {  	_ =	shalt  }
0x66: {  	_ =	shalt  }
0x67: {  	_ =	shalt  }
0x68: {  	_ =	shalt  }
0x69: {  	_ =	shalt  }
0x6a: {  	_ =	shalt  }
0x6b: {  	_ =	shalt  }
0x6c: {  	_ =	shalt  }
0x6d: {  	_ =	shalt  }
0x6e: {  	_ =	shalt  }
0x6f: {  	_ =	shalt  }
0x70: {  	_ =	shalt  }
0x71: {  	_ =	shalt  }
0x72: {  	_ =	shalt  }
0x73: {  	_ =	shalt  }
0x74: {  	_ =	shalt  }
0x75: {  	_ =	shalt  }
0x76: {  	_ =	shalt  }
0x77: {  	_ =	shalt  }
0x78: {  	_ =	shalt  }
0x79: {  	_ =	shalt  }
0x7a: {  	_ =	shalt  }
0x7b: {  	_ =	shalt  }
0x7c: {  	_ =	shalt  }
0x7d: {  	_ =	shalt  }
0x7e: {  	_ =	shalt  }
0x7f: {  	_ =	shalt  }
0x80: {  	_ =	shalt  }
0x81: {  	_ =	shalt  }
0x82: {  	_ =	shalt  }
0x83: {  	_ =	shalt  }
0x84: {  	_ =	shalt  }
0x85: {  	_ =	shalt  }
0x86: {  	_ =	shalt  }
0x87: {  	_ =	shalt  }
.Lfunc_end0:
.L_simem_size_0:
called_computation_lowered:
.L_overlay_start_0:
0x88: {  	s2 =	sld [smem:$0x3FD9]  }
0x89: {  	s3 =	sld [smem:$0x3FFE];
	_ =	sdelay $0x1  }
0x8a: {  	s1 =	srdreg.scid  }
0x8b: {  	s0 =	sand.u32 $0x1, s1  }
0x8c: {  	s18 =	sshll.u32 s0, $0xA;
	s2 =	sadd.s32 s3, s2  }
0x8d: {  	s2 =	sadd.s32 s2, s18  }
0x8e: {  	[smem:$0x3FC6] =	sst s2  }
0x8f: {  	_ = 	snop  }
0x90: {  	s2 =	sld [smem:$0x3FC9]  }
0x91: {  	s19 =	sld [smem:$0x3FC8]  }
0x92: {  	s4 =	sld [smem:$0x3FD0];
	(tm) =	ssettm $0x1  }
0x93: {  	s5 =	sld [smem:$0x3FFB];
	_ =	sdelay $0x3  }
0x94: {  	_ =	strace s5  }
0x95: {  	s5 =	sld [smem:$0x3FFC];
	_ =	sdelay $0x3  }
0x96: {  	_ =	strace s5  }
0x97: {  	s5 =	sld [smem:$0x3FFD];
	_ =	sdelay $0x3  }
0x98: {  	_ =	strace s5  }
0x99: {  	_ =	strace $0x8FFFFFFF  }
0x9a: {  	s20 =	sld [smem:$0x3FDB];
	_ =	sdelay $0x1  }
0x9b: {  	s6 =	simm.s32 $_scs_section_size  }
0x9c: {  	s7 =	simm.s32 $_size__tile_overlayer_lowered;
	s8 =	simm.s32 $_tile_overlayer_lowered  }
0x9d: {  	s23 =	simm.s32 $0x1BFF;
	s22 =	sshll.u32 s8, $0x1;
	s5 =	sadd.s32 s6, s20  }
0x9e: {  	s9 =	simm.s32 $0x0;
	s21 =	sshll.u32 s7, $0x1;
	s7 =	sadd.s32 s22, s5  }
0x9f: {  	[timem:s9], [sflag:s23] =	dma.local [hbm:s7], s21  }
0xa0: {  	_ =	swait.ge [sflag:s23], s21  }
0xa1: {  	s6 =	ssub.s32 $0x0, s21;
	[sflag:s23] =	ssyncset.done $0x0  }
0xa2: {  	[sflag:s23] =	ssyncadd.s32 s6;
	_ =	sdelay $0x1  }
0xa3: {  	s24 =	simm.s32 $0x1B8B  }
0xa4: {  	_ =	swait.ge [sflag:s24], $0x1  }
0xa5: {  	[sflag:s24] =	ssyncset.done $0x0  }
0xa6: {  	s25 =	simm.s32 $0x1B8E;
	[sflag:s24] =	ssyncadd.s32 $0xFFFFFFFF  }
0xa7: {  	s26 =	simm.s32 $execute0_lowered;
	[smem:$0x3FD2] =	sst s25  }
0xa8: {  	s6 =	sshll.u32 s26, $0x1;
	_ =	strace $0x80000046;
	[dreg:$0x1] =	wrdreg $0xFFFFFFFF  }
0xa9: {  	s28 =	simm.s32 $_size_execute0_lowered;
	s5 =	sadd.s32 s5, s6;
	[dreg:$0x0] =	wrdreg $0x0  }
0xaa: {  	s6 =	sshll.u32 s28, $0x1;
	[dreg:$0x2] =	wrdreg s5  }
0xab: {  	[dreg:$0x3] =	wrdreg s6  }
0xac: {  	[dreg:$0x4] =	wrdreg $0xC0  }
0xad: {  	_ =	task [dreg:s9], $0x5FFFF  }
0xae: {  	[dreg:$0x1] =	wrdreg $0xFFFFFFFF  }
0xaf: {  	[dreg:$0x0] =	wrdreg $0x60  }
0xb0: {  	[dreg:$0x2] =	wrdreg s2  }
0xb1: {  	[dreg:$0x3] =	wrdreg s19  }
0xb2: {  	[dreg:$0x4] =	wrdreg s4  }
0xb3: {  	[dreg:$0x5] =	wrdreg $0x104800  }
0xb4: {  	[dreg:$0x6] =	wrdreg $0x9  }
0xb5: {  	_ =	task.clear_ibuf [dreg:s9], $0x7FFFF;
	_ =	strace $0x90000046  }
0xb6: {  	s29 =	simm.s32 $0x9;
	_ =	strace $0x80000048  }
0xb7: {  	_ =	swait.ge [sflag:s29], $0x1  }
0xb8: {  	[sflag:s29] =	ssyncadd.s32 $0xFFFFFFFF  }
0xb9: {  	_ =	strace $0x90000048  }
0xba: {  	_ =	sfence  }
0xbb: {  	s30 =	sld [smem:$0x0];
	_ =	sdelay $0x2  }
0xbc: {  	s31 =	sshll.u32 s1, $0xD;
	s1 =	sshrl.u32 s1, $0x2  }
0xbd: {  	s3 =	sand.u32 $0x4000, s31;
	s1 =	sadd.s32 s1, s30  }
0xbe: {  	s0 =	sor.u32 s3, s0;
	s1 =	sshll.u32 s1, $0x11  }
0xbf: {  	s0 =	sor.u32 s1, s0  }
0xc0: {  	s0 =	sadd.s32 $0x8F2B, s0  }
0xc1: {  	[sflag:s0] =	ssyncadd.remote.s32 $0x1  }
0xc2: {  	_ =	sfence.sel $0xFFFF  }
0xc3: {  	[dreg:$0x0] =	wrdreg $0xFFFFFFFF;
	(pc) =	sbr.abs _section_cstart, $3  }
0xc4: {  	[dreg:$0x1] =	wrdreg $0xFFFFFFFF  }
0xc5: {  	_ =	task.clear_ibuf [dreg:s9], $0x2FFFF;
	_ =	strace $0x9FFFFFFF  }
0xc6: {  	(tm) =	ssettm $0x7FFFFFFF  }
0xc7: {  	_ =	shalt  }
tec
execute0_lowered:
.L_overlay_start_1:
0x0: {  	(tag) =	ssettag $0x1  }
0x1: {  	s3 =	rddreg [dreg:$0x0]  }
0x2: {  	s0 =	rddreg [dreg:$0x1]  }
0x3: {  	s4 =	rddreg [dreg:$0x2]  }
0x4: {  	s1 =	rddreg [dreg:$0x3];
	s2 =	simm.s32 $0x0  }
0x5: {  	s5 =	srdreg.scid;
	s6 =	stileid.u32;
	s30 =	simm.s32 $0x80  }
0x6: {  	s31 =	simm.s32 $0x100;
	s10 =	simm.s32 $0x180;
	s11 =	simm.s32 $0x200  }
0x7: {  	s12 =	simm.s32 $0x8400;
	s13 =	simm.s32 $0x280;
	s14 =	simm.s32 $0xA400  }
0x8: {  	s15 =	simm.s32 $0x300;
	s16 =	simm.s32 $0xC400;
	[dreg:$0x5] =	wrdreg s0  }
0x9: {  	s17 =	simm.s32 $0x380;
	s18 =	simm.s32 $0xE400;
	s0 =	rddreg [dreg:$0x4]  }
0xa: {  	s19 =	simm.s32 $0x1;
	s28 =	simm.s32 $0x9;
	[smem:$0x7FF] =	sst s2  }
0xb: {  	s5 =	sand.u32 $0x1, s5;
	s7 =	sshll.u32 s6, $0x1;
	s8 =	sadd.s32 $0x580, s1  }
0xc: {  	p0 =	sne.s32 s6, $0x0;
	_ =	strace $0x80000047;
	[dreg:$0x6] =	wrdreg s8  }
0xd: {  	s6 =	simm.s32 $0x40;
	s7 =	sor.u32 s5, s7;
	[dreg:$0x10] =	wrdreg s30  }
0xe: {  	[dreg:$0x11] =	wrdreg s31;
	s9 =	sshll.u32 s7, $0x7;
	s7 =	sshll.u32 s7, $0xD  }
0xf: {  	[dreg:$0x12] =	wrdreg s10;
	s20 =	sadd.s32 s3, s9;
	s3 =	sadd.s32 s4, s7  }
0x10: {  	s5 =	ssub.s32 $0x2, s5;
	[dreg:$0x7] =	wrdreg s20;
	s4 =	sadd.s32 $0x400, s3  }
0x11: {  	s8 =	simm.s32 $0x2400;
	s21 =	sadd.s32 $0x800, s3;
	[dreg:$0x8] =	wrdreg s4  }
0x12: {  	s10 =	simm.s32 $0x6400;
	s22 =	sadd.s32 $0xC00, s3;
	[dreg:$0x9] =	wrdreg s21  }
0x13: {  	s24 =	sshrl.u32 s5, $0x1;
	s23 =	sadd.s32 $0x1000, s3;
	[dreg:$0xa] =	wrdreg s22  }
0x14: {  	s5 =	ssub.s32 s5, s24;
	s25 =	sadd.s32 $0x1400, s3;
	[dreg:$0xb] =	wrdreg s23  }
0x15: {  	s7 =	simm.s32 $0x400;
	s26 =	sadd.s32 $0x1800, s3;
	[dreg:$0xc] =	wrdreg s25  }
0x16: {  	s9 =	simm.s32 $0x4400;
	s29 =	sadd.s32 $0x1C00, s3;
	[dreg:$0xd] =	wrdreg s26  }
0x17: {  	s24 =	simm.s32 $0x6;
	s20 =	simm.s32 $0x2;
	[dreg:$0xe] =	wrdreg s29  }
0x18: {  	s4 =	smax.u32 s5, $0x1;
	s5 =	sshrl.u32 @!p0 s1, $0x3;
	s21 =	simm.s32 $0x3  }
0x19: {  	s22 =	simm.s32 $0x4;
	s23 =	simm.s32 $0x5;
	s25 =	simm.s32 $0x7  }
0x1a: {  	s26 =	simm.s32 $0x8;
	[dreg:$0xf] =	wrdreg s5;
	s5 =	simm.s32 $0xA  }
.LBB2_1:
0x1b: {  	v0 =	vimm.f32 @!p0 $0.0e+00  }
0x1c: {  	[tilespmem:$0x10400] =	vst @!p0 v0  }
0x1d: {  	[tilespmem:$0x10410] =	vst @!p0 v0  }
0x1e: {  	[tilespmem:$0x10420] =	vst @!p0 v0  }
0x1f: {  	[tilespmem:$0x10430] =	vst @!p0 v0  }
0x20: {  	[tilespmem:$0x10440] =	vst @!p0 v0  }
0x21: {  	[tilespmem:$0x10450] =	vst @!p0 v0  }
0x22: {  	s29 =	rddreg [dreg:$0x5];
	[tilespmem:$0x10460] =	vst @!p0 v0  }
0x23: {  	s30 =	rddreg [dreg:$0xf];
	s31 =	simm.s32 @!p0 $0x1C0A;
	[tilespmem:$0x10470] =	vst @!p0 v0  }
0x24: {  	[spmem:s30], [sflag:s31] =	dma.local @!p0 [hbm:s29], $0xB0  }
0x25: {  	s29 =	simm.s32 @!p0 $0xA  }
0x26: {  	_ =	swait.ge @!p0 [sflag:s29], $0xB0  }
0x27: {  	[sflag:s29] =	ssyncset.done @!p0 $0x0  }
0x28: {  	s31 =	simm.s32 @!p0 $0x10400;
	s30 =	rddreg [dreg:$0x6];
	[sflag:s29] =	ssyncadd.s32 @!p0 $0xFFFFFF50  }
0x29: {  	[spmem:s30] =	stream.linear.scatter @!p0 [tilespmem:s31], [sflag:$0xA], $0x80, $0x38;
	[tilespmem:$0x104E0] =	vst v63  }
0x2a: {  	_ =	swait.ge @!p0 [sflag:s29], $0x80  }
0x2b: {  	[sflag:s29] =	ssyncset.done @!p0 $0x0  }
0x2c: {  	s31 =	rddreg [dreg:$0x7];
	[sflag:s29] =	ssyncadd.s32 @!p0 $0xFFFFFF80  }
0x2d: {  	[tilespmem:s2], [sflag:$0xA] =	stream.linear.gather [hbm4b:s31+s2], $0x400, $0x38;
	[tilespmem:$0x104E0] =	vst v63  }
0x2e: {  	_ =	swait.ge [sflag:s5], $0x400  }
0x2f: {  	[sflag:s5] =	ssyncset.done $0x0  }
0x30: {  	[sflag:s5] =	ssyncadd.s32 $0xFFFFFC00  }
0x31: {  	v43 =	vld [tilespmem:$0x0]  }
0x32: {  	v1 =	vld [tilespmem:$0x10]  }
0x33: {  	v2 =	vld [tilespmem:$0x20]  }
0x34: {  	v3 =	vld [tilespmem:$0x30]  }
0x35: {  	v5 =	vld [tilespmem:$0x80]  }
0x36: {  	v45 =	vld [tilespmem:$0x90]  }
0x37: {  	v46 =	vld [tilespmem:$0xA0]  }
0x38: {  	v8 =	vld [tilespmem:$0xB0]  }
0x39: {  	v49 =	vld [tilespmem:$0x110];
	vm0 =	vgt.s32 v43, $0x0;
	vm15 =	vgt.s32 v1, $0x0;
	vm1 =	vlt.s32 v43, $0x1  }
0x3a: {  	v11 =	vld [tilespmem:$0x120];
	vm4 =	vlt.s32 v1, $0x1;
	vm2 =	vgt.s32 v2, $0x0;
	vm5 =	vlt.s32 v2, $0x1  }
0x3b: {  	v51 =	vld [tilespmem:$0x130];
	vm6 =	vgt.s32 v3, $0x0;
	vm7 =	vgt.s32 v5, $0x0;
	vm8 =	vlt.s32 v3, $0x1  }
0x3c: {  	v52 =	vld [tilespmem:$0x180];
	vm9 =	vlt.s32 v5, $0x1;
	vm10 =	vgt.s32 v45, $0x0;
	vm11 =	vlt.s32 v45, $0x1  }
0x3d: {  	v14 =	vld [tilespmem:$0x190];
	vm12 =	vgt.s32 v46, $0x0;
	vm13 =	vgt.s32 v8, $0x0;
	vm14 =	vlt.s32 v46, $0x1  }
0x3e: {  	v4 =	vnsel vm0, $0x0, v43;
	v44 =	vnsel vm15, $0x0, v1;
	v6 =	vnsel vm2, $0x0, v2  }
0x3f: {  	v55 =	vld [tilespmem:$0x1B0];
	v7 =	vnsel vm6, $0x0, v3;
	v47 =	vnsel vm7, $0x0, v5;
	v9 =	vnsel vm10, $0x0, v45  }
0x40: {  	v17 =	vld [tilespmem:$0x200];
	v10 =	vnsel vm12, $0x0, v46;
	v50 =	vnsel vm13, $0x0, v8;
	vm15 =	vlt.s32 v8, $0x1  }
0x41: {  	v57 =	vld [tilespmem:$0x210];
	vm6 =	vgt.s32 v49, $0x0;
	vm7 =	vgt.s32 v11, $0x0;
	vm10 =	vgt.s32 v51, $0x0  }
0x42: {  	v61 =	vld [tilespmem:$0x220];
	vm12 =	vgt.s32 v52, $0x0;
	vm13 =	vgt.s32 v14, $0x0;
	v4 =	vmin.u32 v4, $0xA  }
0x43: {  	v63 =	vld [tilespmem:$0x230];
	v0 =	vmin.u32 v44, $0xA;
	v6 =	vmin.u32 v6, $0xA;
	v7 =	vmin.u32 v7, $0xA  }
0x44: {  	v3 =	vmin.u32 v47, $0xA;
	v9 =	vmin.u32 v9, $0xA;
	v10 =	vmin.u32 v10, $0xA  }
0x45: {  	v48 =	vld [tilespmem:$0x100];
	v2 =	vmin.u32 v50, $0xA;
	v13 =	vnsel vm6, $0x0, v49;
	v53 =	vnsel vm7, $0x0, v11  }
0x46: {  	v15 =	vnsel vm10, $0x0, v51;
	v16 =	vnsel vm12, $0x0, v52;
	v56 =	vnsel vm13, $0x0, v14  }
0x47: {  	vm6 =	vgt.s32 v55, $0x0;
	vm7 =	vgt.s32 v17, $0x0;
	vm10 =	vgt.s32 v57, $0x0  }
0x48: {  	vm12 =	vgt.s32 v61, $0x0;
	vm13 =	vgt.s32 v63, $0x0;
	v4 =	vsel vm1, $0xB, v4  }
0x49: {  	v0 =	vsel vm4, $0xB, v0;
	v6 =	vsel vm5, $0xB, v6;
	v7 =	vsel vm8, $0xB, v7  }
0x4a: {  	v22 =	vld [tilespmem:$0x290];
	v3 =	vsel vm9, $0xB, v3;
	v9 =	vsel vm11, $0xB, v9;
	vm4 =	vgt.s32 v48, $0x0  }
0x4b: {  	v25 =	vld [tilespmem:$0x2A0];
	v10 =	vsel vm14, $0xB, v10;
	v2 =	vsel vm15, $0xB, v2;
	vm5 =	vlt.s32 v48, $0x1  }
0x4c: {  	v30 =	vld [tilespmem:$0x300];
	v13 =	vmin.u32 v13, $0xA;
	vm8 =	vlt.s32 v49, $0x1;
	v1 =	vmin.u32 v53, $0xA  }
0x4d: {  	v33 =	vld [tilespmem:$0x310];
	vm9 =	vlt.s32 v11, $0x1;
	v15 =	vmin.u32 v15, $0xA;
	vm11 =	vlt.s32 v51, $0x1  }
0x4e: {  	v16 =	vmin.u32 v16, $0xA;
	vm14 =	vlt.s32 v52, $0x1;
	v5 =	vmin.u32 v56, $0xA  }
0x4f: {  	v54 =	vld [tilespmem:$0x1A0];
	vm15 =	vlt.s32 v14, $0x1;
	v62 =	vnsel vm6, $0x0, v55;
	v18 =	vnsel vm7, $0x0, v17  }
0x50: {  	v21 =	vnsel vm10, $0x0, v57;
	v24 =	vnsel vm12, $0x0, v61;
	v26 =	vnsel vm13, $0x0, v63;
	[tilespmem:$0x0] =	vst v4  }
0x51: {  	vm6 =	vgt.s32 v22, $0x0;
	vm7 =	vgt.s32 v25, $0x0;
	vm10 =	vlt.s32 v25, $0x1;
	[tilespmem:$0x10] =	vst v0  }
0x52: {  	vm12 =	vgt.s32 v30, $0x0;
	vm13 =	vgt.s32 v33, $0x0;
	v12 =	vnsel vm4, $0x0, v48;
	[tilespmem:$0x20] =	vst v6  }
0x53: {  	v38 =	vld [tilespmem:$0x320];
	v13 =	vsel vm8, $0xB, v13;
	v1 =	vsel vm9, $0xB, v1;
	v15 =	vsel vm11, $0xB, v15;
	[tilespmem:$0x30] =	vst v7  }
0x54: {  	v40 =	vld [tilespmem:$0x330];
	vm4 =	vgt.s32 v54, $0x0;
	v58 =	vsel vm14, $0xB, v16;
	v5 =	vsel vm15, $0xB, v5;
	[tilespmem:$0x80] =	vst v3  }
0x55: {  	v6 =	vmin.u32 v62, $0xA;
	vm8 =	vlt.s32 v55, $0x1;
	v19 =	vmin.u32 v18, $0xA;
	[tilespmem:$0x90] =	vst v9  }
0x56: {  	vm9 =	vlt.s32 v17, $0x1;
	[tilespmem:$0xA0] =	vst v10;
	v8 =	vmin.u32 v21, $0xA;
	vm11 =	vlt.s32 v57, $0x1  }
0x57: {  	v20 =	vld [tilespmem:$0x280];
	[tilespmem:$0xB0] =	vst v2;
	vm14 =	vlt.s32 v61, $0x1;
	v11 =	vmin.u32 v26, $0xA;
	vm15 =	vlt.s32 v63, $0x1  }
0x58: {  	v27 =	vld [tilespmem:$0x2B0];
	v32 =	vnsel vm6, $0x0, v22;
	v35 =	vnsel vm7, $0x0, v25;
	v44 =	vnsel vm12, $0x0, v30;
	[tilespmem:$0x110] =	vst v13  }
0x59: {  	v45 =	vnsel vm13, $0x0, v33;
	vm6 =	vlt.s32 v38, $0x1;
	vm7 =	vlt.s32 v40, $0x1;
	[tilespmem:$0x120] =	vst v1  }
0x5a: {  	v12 =	vmin.u32 v12, $0xA;
	v59 =	vnsel vm4, $0x0, v54;
	v6 =	vsel vm8, $0xB, v6;
	[tilespmem:$0x130] =	vst v15  }
0x5b: {  	v3 =	vsel vm9, $0xB, v19;
	v23 =	vsel vm11, $0xB, v8;
	v8 =	vmin.u32 v24, $0xA;
	[tilespmem:$0x180] =	vst v58  }
0x5c: {  	vm4 =	vgt.s32 v20, $0x0;
	v28 =	vsel vm15, $0xB, v11;
	[tilespmem:$0x190] =	vst v5;
	v34 =	vmin.u32 v32, $0xA  }
0x5d: {  	vm8 =	vlt.s32 v22, $0x1;
	v37 =	vmin.u32 v35, $0xA;
	vm9 =	vgt.s32 v27, $0x0;
	[tilespmem:$0x1B0] =	vst v6  }
0x5e: {  	v46 =	vld [tilespmem:$0x380];
	vm11 =	vlt.s32 v27, $0x1;
	v5 =	vmin.u32 v44, $0xA;
	v48 =	vmin.u32 v45, $0xA;
	[tilespmem:$0x200] =	vst v3  }
0x5f: {  	vm15 =	vlt.s32 v33, $0x1;
	v12 =	vsel vm5, $0xB, v12;
	v60 =	vmin.u32 v59, $0xA;
	[tilespmem:$0x210] =	vst v23  }
0x60: {  	vm5 =	vlt.s32 v54, $0x1;
	v8 =	vsel vm14, $0xB, v8;
	v29 =	vnsel vm4, $0x0, v20;
	[tilespmem:$0x230] =	vst v28  }
0x61: {  	v36 =	vsel vm8, $0xB, v34;
	v39 =	vnsel vm9, $0x0, v27;
	v41 =	vsel vm10, $0xB, v37;
	[tilespmem:$0x100] =	vst v12  }
0x62: {  	v49 =	vld [tilespmem:$0x390];
	vm14 =	vlt.s32 v30, $0x1;
	v50 =	vsel vm15, $0xB, v48;
	vm4 =	vgt.s32 v38, $0x0;
	[tilespmem:$0x220] =	vst v8  }
0x63: {  	v53 =	vld [tilespmem:$0x3A0];
	vm8 =	vgt.s32 v46, $0x0;
	vm9 =	vlt.s32 v46, $0x1;
	v0 =	vsel vm5, $0xB, v60;
	[tilespmem:$0x290] =	vst v36  }
0x64: {  	v11 =	vmin.u32 v29, $0xA;
	vm5 =	vlt.s32 v20, $0x1;
	v42 =	vmin.u32 v39, $0xA;
	[tilespmem:$0x2A0] =	vst v41  }
0x65: {  	v47 =	vsel vm14, $0xB, v5;
	v51 =	vnsel vm4, $0x0, v38;
	v57 =	vnsel vm8, $0x0, v46;
	[tilespmem:$0x310] =	vst v50  }
0x66: {  	v55 =	vld [tilespmem:$0x3B0];
	v31 =	vsel vm5, $0xB, v11;
	[tilespmem:$0x1A0] =	vst v0;
	v43 =	vsel vm11, $0xB, v42;
	vm5 =	vgt.s32 v40, $0x0  }
0x67: {  	v0 =	vmin.u32 v51, $0xA;
	[tilespmem:$0x300] =	vst v47;
	vm10 =	vgt.s32 v49, $0x0;
	vm11 =	vlt.s32 v49, $0x1  }
0x68: {  	v1 =	vmin.u32 v57, $0xA;
	vm12 =	vgt.s32 v53, $0x0;
	vm14 =	vlt.s32 v53, $0x1;
	[tilespmem:$0x280] =	vst v31  }
0x69: {  	v52 =	vnsel vm5, $0x0, v40;
	[tilespmem:$0x2B0] =	vst v43;
	v0 =	vsel vm6, $0xB, v0;
	v58 =	vnsel vm10, $0x0, v49  }
0x6a: {  	v59 =	vsel vm9, $0xB, v1;
	v61 =	vnsel vm12, $0x0, v53;
	v54 =	vmin.u32 v52, $0xA;
	[tilespmem:$0x320] =	vst v0  }
0x6b: {  	vm13 =	vgt.s32 v55, $0x0;
	v60 =	vmin.u32 v58, $0xA;
	[tilespmem:$0x380] =	vst v59;
	v56 =	vsel vm7, $0xB, v54  }
0x6c: {  	v62 =	vnsel vm13, $0x0, v55;
	v2 =	vmin.u32 v61, $0xA;
	v1 =	vsel vm11, $0xB, v60;
	[tilespmem:$0x330] =	vst v56  }
0x6d: {  	vm15 =	vlt.s32 v55, $0x1;
	v63 =	vsel vm14, $0xB, v2;
	v0 =	vmin.u32 v62, $0xA;
	[tilespmem:$0x390] =	vst v1  }
0x6e: {  	[tilespmem:$0x3A0] =	vst v63;
	v0 =	vsel vm15, $0xB, v0  }
0x6f: {  	[tilespmem:$0x3B0] =	vst v0  }
0x70: {  	[bflag:$0x0] =	sbarrier.arrive $0xFFFF  }
0x71: {  	[tilespmem:s7], [sflag:$0x1] =	stream.indirect.gather [spmem:s1], $0x80, s2, s6, $0xb8;
	[tilespmem:$0x104E0] =	vst v63  }
0x72: {  	s31 =	rddreg [dreg:$0x10]  }
0x73: {  	[tilespmem:s8], [sflag:$0x2] =	stream.indirect.gather [spmem:s1], $0x80, s31, s6, $0xb8;
	[tilespmem:$0x104E0] =	vst v63  }
0x74: {  	s30 =	rddreg [dreg:$0x11]  }
0x75: {  	[tilespmem:s9], [sflag:$0x3] =	stream.indirect.gather [spmem:s1], $0x80, s30, s6, $0xb8;
	[tilespmem:$0x104E0] =	vst v63  }
0x76: {  	s31 =	rddreg [dreg:$0x12]  }
0x77: {  	[tilespmem:s10], [sflag:$0x4] =	stream.indirect.gather [spmem:s1], $0x80, s31, s6, $0xb8;
	[tilespmem:$0x104E0] =	vst v63  }
0x78: {  	_ = 	snop  }
0x79: {  	[tilespmem:s12], [sflag:$0x5] =	stream.indirect.gather [spmem:s1], $0x80, s11, s6, $0xb8;
	[tilespmem:$0x104E0] =	vst v63  }
0x7a: {  	_ = 	snop  }
0x7b: {  	[tilespmem:s14], [sflag:$0x6] =	stream.indirect.gather [spmem:s1], $0x80, s13, s6, $0xb8;
	[tilespmem:$0x104E0] =	vst v63  }
0x7c: {  	_ = 	snop  }
0x7d: {  	[tilespmem:s16], [sflag:$0x7] =	stream.indirect.gather [spmem:s1], $0x80, s15, s6, $0xb8;
	[tilespmem:$0x104E0] =	vst v63  }
0x7e: {  	_ = 	snop  }
0x7f: {  	[tilespmem:s18], [sflag:$0x8] =	stream.indirect.gather [spmem:s1], $0x80, s17, s6, $0xb8;
	[tilespmem:$0x104E0] =	vst v63  }
0x80: {  	_ =	swait.ge [sflag:s19], $0x2000  }
0x81: {  	[sflag:s19] =	ssyncset.done $0x0  }
0x82: {  	[sflag:s19] =	ssyncadd.s32 $0xFFFFE000  }
0x83: {  	[hbm4b:s3+s2] =	stream.linear.scatter [tilespmem:s7], [sflag:$0x9], $0x2000, $0x38;
	[tilespmem:$0x104E0] =	vst v63  }
0x84: {  	_ =	swait.ge [sflag:s20], $0x2000  }
0x85: {  	[sflag:s20] =	ssyncset.done $0x0  }
0x86: {  	s31 =	rddreg [dreg:$0x8];
	[sflag:s20] =	ssyncadd.s32 $0xFFFFE000  }
0x87: {  	[hbm4b:s31+s2] =	stream.linear.scatter [tilespmem:s8], [sflag:$0x9], $0x2000, $0x38;
	[tilespmem:$0x104E0] =	vst v63  }
0x88: {  	_ =	swait.ge [sflag:s21], $0x2000  }
0x89: {  	[sflag:s21] =	ssyncset.done $0x0  }
0x8a: {  	s30 =	rddreg [dreg:$0x9];
	[sflag:s21] =	ssyncadd.s32 $0xFFFFE000  }
0x8b: {  	[hbm4b:s30+s2] =	stream.linear.scatter [tilespmem:s9], [sflag:$0x9], $0x2000, $0x38;
	[tilespmem:$0x104E0] =	vst v63  }
0x8c: {  	_ =	swait.ge [sflag:s22], $0x2000  }
0x8d: {  	[sflag:s22] =	ssyncset.done $0x0  }
0x8e: {  	s31 =	rddreg [dreg:$0xa];
	[sflag:s22] =	ssyncadd.s32 $0xFFFFE000  }
0x8f: {  	[hbm4b:s31+s2] =	stream.linear.scatter [tilespmem:s10], [sflag:$0x9], $0x2000, $0x38;
	[tilespmem:$0x104E0] =	vst v63  }
0x90: {  	_ =	swait.ge [sflag:s23], $0x2000  }
0x91: {  	[sflag:s23] =	ssyncset.done $0x0  }
0x92: {  	s30 =	rddreg [dreg:$0xb];
	[sflag:s23] =	ssyncadd.s32 $0xFFFFE000  }
0x93: {  	[hbm4b:s30+s2] =	stream.linear.scatter [tilespmem:s12], [sflag:$0x9], $0x2000, $0x38;
	[tilespmem:$0x104E0] =	vst v63  }
0x94: {  	_ =	swait.ge [sflag:s24], $0x2000  }
0x95: {  	[sflag:s24] =	ssyncset.done $0x0  }
0x96: {  	s31 =	rddreg [dreg:$0xc];
	[sflag:s24] =	ssyncadd.s32 $0xFFFFE000  }
0x97: {  	[hbm4b:s31+s2] =	stream.linear.scatter [tilespmem:s14], [sflag:$0x9], $0x2000, $0x38;
	[tilespmem:$0x104E0] =	vst v63  }
0x98: {  	_ =	swait.ge [sflag:s25], $0x2000  }
0x99: {  	[sflag:s25] =	ssyncset.done $0x0  }
0x9a: {  	s30 =	rddreg [dreg:$0xd];
	[sflag:s25] =	ssyncadd.s32 $0xFFFFE000  }
0x9b: {  	[hbm4b:s30+s2] =	stream.linear.scatter [tilespmem:s16], [sflag:$0x9], $0x2000, $0x38;
	[tilespmem:$0x104E0] =	vst v63  }
0x9c: {  	_ =	swait.ge [sflag:s26], $0x2000  }
0x9d: {  	[sflag:s26] =	ssyncset.done $0x0  }
0x9e: {  	s31 =	rddreg [dreg:$0xe];
	[sflag:s26] =	ssyncadd.s32 $0xFFFFE000  }
0x9f: {  	[hbm4b:s31+s2] =	stream.linear.scatter [tilespmem:s18], [sflag:$0x9], $0x2000, $0x38;
	[tilespmem:$0x104E0] =	vst v63  }
0xa0: {  	_ =	swait.ge [sflag:s28], $0x2000  }
0xa1: {  	[sflag:s28] =	ssyncset.done $0x0  }
0xa2: {  	[sflag:s28] =	ssyncadd.s32 $0xFFFFE000  }
0xa3: {  	_ =	swait.ge [sflag:s28], $0x2000  }
0xa4: {  	[sflag:s28] =	ssyncset.done $0x0  }
0xa5: {  	[sflag:s28] =	ssyncadd.s32 $0xFFFFE000  }
0xa6: {  	_ =	swait.ge [sflag:s28], $0x2000  }
0xa7: {  	[sflag:s28] =	ssyncset.done $0x0  }
0xa8: {  	[sflag:s28] =	ssyncadd.s32 $0xFFFFE000  }
0xa9: {  	_ =	swait.ge [sflag:s28], $0x2000  }
0xaa: {  	[sflag:s28] =	ssyncset.done $0x0  }
0xab: {  	[sflag:s28] =	ssyncadd.s32 $0xFFFFE000  }
0xac: {  	_ =	swait.ge [sflag:s28], $0x2000  }
0xad: {  	[sflag:s28] =	ssyncset.done $0x0  }
0xae: {  	[sflag:s28] =	ssyncadd.s32 $0xFFFFE000  }
0xaf: {  	_ =	swait.ge [sflag:s28], $0x2000  }
0xb0: {  	[sflag:s28] =	ssyncset.done $0x0  }
0xb1: {  	s4 =	sadd.s32 $0xFFFFFFFF, s4;
	[sflag:s28] =	ssyncadd.s32 $0xFFFFE000  }
0xb2: {  	p1 =	sne.s32 s4, $0x0;
	_ =	swait.ge [sflag:s28], $0x2000  }
.Ltmp0:
0xb3: {  	[sflag:s28] =	ssyncset.done $0x0;
	(pc) =	sbr.rel @p1 .LBB2_1-.Ltmp0, $4  }
0xb4: {  	[sflag:s28] =	ssyncadd.s32 $0xFFFFE000  }
0xb5: {  	_ =	swait.ge [sflag:s28], $0x2000  }
0xb6: {  	[sflag:s28] =	ssyncset.done $0x0  }
0xb7: {  	[sflag:s28] =	ssyncadd.s32 $0xFFFFE000  }
0xb8: {  	_ =	sfence.sel $0x180000  }
0xb9: {  	[bflag:$0x0] =	sbarrier.arrive $0xFFFF  }
0xba: {  	_ =	strace $0x90000047  }
0xbb: {  	s0 =	sadd.s32 @!p0 $0x100000, s0;
	[bflag:$0x2] =	sbarrier.arrive $0xFFFF  }
0xbc: {  	[sflag:s0] =	ssyncadd.tile.s32 @!p0 $0x1;
	_ =	shalt  }
.Lfunc_end2:
_tile_overlayer_lowered:
.L_overlay_start_2:
0xbd: {  	(tag) =	ssettag $0x2  }
0xbe: {  	s0 =	rddreg [dreg:$0x0];
	s2 =	stileid.u32  }
0xbf: {  	s1 =	rddreg [dreg:$0x1];
	p0 =	sne.s32 s2, $0x0  }
0xc0: {  	s3 =	rddreg [dreg:$0x2];
	[bflag:$0x3] =	sbarrier.arrive $0xFFFF;
	s2 =	simm.s32 @!p0 $0x1C0A  }
0xc1: {  	[timem:s3], [sflag:s2] =	dma.local @!p0 [hbm:s0], s1  }
0xc2: {  	s0 =	simm.s32 @!p0 $0xA  }
0xc3: {  	_ =	swait.ge @!p0 [sflag:s0], s1  }
0xc4: {  	s1 =	ssub.s32 @!p0 $0x0, s1;
	[sflag:s0] =	ssyncset.done @!p0 $0x0  }
0xc5: {  	[sflag:s0] =	ssyncadd.s32 @!p0 s1  }
0xc6: {  	[bflag:$0x3] =	sbarrier.arrive $0xFFFF  }
0xc7: {  	_ =	shalt  }

</sc_bundles>
